<compile_context>
chip_gen: v7x
topology: tpu7x:2x2x1
jax: 0.10.2.dev20260603
libtpu: 0.0.44.dev20260713+nightly
codegen_flags: <defaults>
</compile_context>

<pallas_src>
import functools

import jax
import jax.numpy as jnp
from jax import lax
from jax.experimental import pallas as pl
from jax.experimental.pallas import tpu as pltpu
from jax.experimental.pallas import tpu_sc as plsc

DIM = 64
LANES = 16
NCORES = 2
NSUBCORES = 16
DIMS_PER_CORE = DIM // NCORES
IDX_MINOR = 128


@functools.partial(jax.jit, static_argnames=("batch", "n_ent", "n_rel", "lo_n"))
def _sc_partial(ent_t, rel_t, tail_t, ih_lo, ih_hi, ih_ta, it_lo, it_hi,
                it_ta, idx_r, batch, n_ent, n_rel, lo_n):
    b_per_t = batch // NSUBCORES
    n_rows = b_per_t // IDX_MINOR
    stage_n = lo_n + IDX_MINOR
    q_n = lo_n // 2
    mesh = plsc.VectorSubcoreMesh(
        core_axis_name="c", subcore_axis_name="s",
        num_cores=NCORES, num_subcores=NSUBCORES,
    )

    idx_vmem = pltpu.VMEM((n_rows, IDX_MINOR), jnp.int32)
    val_vmem = pltpu.VMEM((b_per_t,), jnp.float32)

    @functools.partial(
        pl.kernel,
        out_type=jax.ShapeDtypeStruct((NCORES, batch), jnp.float32),
        mesh=mesh,
        compiler_params=pltpu.CompilerParams(needs_layout_passes=False),
        scratch_types=[
            pltpu.VMEM_SHARED((stage_n,), jnp.float32),
            pltpu.VMEM_SHARED((stage_n,), jnp.float32),
            pltpu.VMEM((DIMS_PER_CORE, n_rel), jnp.float32),
            pltpu.VMEM((DIMS_PER_CORE, IDX_MINOR), jnp.float32),
            idx_vmem, idx_vmem, idx_vmem,
            idx_vmem, idx_vmem, idx_vmem,
            idx_vmem,
            val_vmem, val_vmem, val_vmem, val_vmem,
            val_vmem,
            pltpu.SemaphoreType.DMA,
            pltpu.SemaphoreType.DMA,
            pltpu.SemaphoreType.DMA,
        ],
    )
    def sc_kernel(ent_hbm, rel_hbm, tail_hbm,
                  ihl_hbm, ihh_hbm, iht_hbm, itl_hbm, ith_hbm, itt_hbm,
                  ir_hbm, out_hbm,
                  stage_a, stage_b, rel_v, tail_v,
                  ihl_v, ihh_v, iht_v, itl_v, ith_v, itt_v, ir_v,
                  hlo_v, hhi_v, tlo_v, thi_v, acc_v,
                  sem_a, sem_b, sem_g):
        cid = lax.axis_index("c")
        sid = lax.axis_index("s")
        c_base = cid * DIMS_PER_CORE
        row0 = sid * n_rows

        pltpu.sync_copy(ihl_hbm.at[pl.ds(row0, n_rows)], ihl_v)
        pltpu.sync_copy(ihh_hbm.at[pl.ds(row0, n_rows)], ihh_v)
        pltpu.sync_copy(iht_hbm.at[pl.ds(row0, n_rows)], iht_v)
        pltpu.sync_copy(itl_hbm.at[pl.ds(row0, n_rows)], itl_v)
        pltpu.sync_copy(ith_hbm.at[pl.ds(row0, n_rows)], ith_v)
        pltpu.sync_copy(itt_hbm.at[pl.ds(row0, n_rows)], itt_v)
        pltpu.sync_copy(ir_hbm.at[pl.ds(row0, n_rows)], ir_v)
        pltpu.sync_copy(rel_hbm.at[pl.ds(c_base, DIMS_PER_CORE)], rel_v)
        pltpu.sync_copy(tail_hbm.at[pl.ds(c_base, DIMS_PER_CORE)], tail_v)

        zero = jnp.zeros((LANES,), jnp.float32)

        @pl.loop(0, b_per_t // LANES)
        def _(g):
            acc_v[pl.ds(g * LANES, LANES)] = zero

        def quarter(stage, sem, base, k, c_):
            src = ent_hbm.at[c_base + c_].at[pl.ds(base + k * q_n, q_n)]
            dst = stage.at[pl.ds(k * q_n, q_n)]
            return src, dst, sem

        def q_issue(args):
            src, dst, sem = args
            pltpu.async_copy(src, dst, sem)

        def q_wait(args):
            src, dst, sem = args
            pltpu.make_async_copy(src, dst, sem).wait()

        @pl.when(sid == 0)
        def _():
            pltpu.sync_copy(acc_v.at[pl.ds(0, IDX_MINOR)],
                            stage_a.at[pl.ds(lo_n, IDX_MINOR)])
            q_issue(quarter(stage_a, sem_a, 0, 0, 0))

        @pl.when(sid == 1)
        def _():
            q_issue(quarter(stage_a, sem_a, 0, 1, 0))

        @pl.when(sid == 2)
        def _():
            pltpu.sync_copy(acc_v.at[pl.ds(0, IDX_MINOR)],
                            stage_b.at[pl.ds(lo_n, IDX_MINOR)])
            q_issue(quarter(stage_b, sem_b, lo_n, 0, 0))

        @pl.when(sid == 3)
        def _():
            q_issue(quarter(stage_b, sem_b, lo_n, 1, 0))

        def gather_vals(stage, iv_h, iv_t, dst_h, dst_t):
            gh = []
            for j in range(n_rows):
                dst = pl.ds(j * IDX_MINOR, IDX_MINOR)
                gh.append(pltpu.async_copy(
                    stage.at[iv_h.at[j]], dst_h.at[dst], sem_g))
                gh.append(pltpu.async_copy(
                    stage.at[iv_t.at[j]], dst_t.at[dst], sem_g))
            for cp in gh:
                cp.wait()

        @pl.loop(0, DIMS_PER_CORE)
        def _(c):
            @pl.when(sid == 0)
            def _():
                q_wait(quarter(stage_a, sem_a, 0, 0, c))

            @pl.when(sid == 1)
            def _():
                q_wait(quarter(stage_a, sem_a, 0, 1, c))

            plsc.subcore_barrier()

            pass

            @pl.when(sid == 2)
            def _():
                q_wait(quarter(stage_b, sem_b, lo_n, 0, c))

            @pl.when(sid == 3)
            def _():
                q_wait(quarter(stage_b, sem_b, lo_n, 1, c))

            plsc.subcore_barrier()

            @pl.when((sid == 0) & (c < DIMS_PER_CORE - 1))
            def _():
                q_issue(quarter(stage_a, sem_a, 0, 0, c + 1))

            @pl.when((sid == 1) & (c < DIMS_PER_CORE - 1))
            def _():
                q_issue(quarter(stage_a, sem_a, 0, 1, c + 1))

            pass

            plsc.subcore_barrier()

            @pl.when((sid == 2) & (c < DIMS_PER_CORE - 1))
            def _():
                q_issue(quarter(stage_b, sem_b, lo_n, 0, c + 1))

            @pl.when((sid == 3) & (c < DIMS_PER_CORE - 1))
            def _():
                q_issue(quarter(stage_b, sem_b, lo_n, 1, c + 1))

            @pl.loop(0, 0)
            def _(j):
                for m in range(IDX_MINOR // LANES):
                    sl = pl.ds(j * IDX_MINOR + m * LANES, LANES)
                    isl = pl.ds(m * LANES, LANES)
                    cvec = jax.lax.broadcast(c, (LANES,))
                    rv = plsc.load_gather(rel_v, [cvec, ir_v[j, isl]])
                    htv = plsc.load_gather(tail_v, [cvec, iht_v[j, isl]])
                    ttv = plsc.load_gather(tail_v, [cvec, itt_v[j, isl]])
                    d = (hlo_v[sl] + hhi_v[sl] + htv + rv
                         - tlo_v[sl] - thi_v[sl] - ttv)
                    acc_v[sl] = acc_v[sl] + d * d

        pltpu.sync_copy(acc_v, out_hbm.at[cid, pl.ds(sid * b_per_t, b_per_t)])

    return sc_kernel(ent_t, rel_t, tail_t, ih_lo, ih_hi, ih_ta,
                     it_lo, it_hi, it_ta, idx_r)


def _tc_score_body(p_ref, o_ref):
    o_ref[...] = -jnp.sqrt(p_ref[0, :] + p_ref[1, :] + 1e-12)


def kernel(batch_h, batch_r, batch_t, ent_emb, rel_emb):
    batch = batch_h.shape[0]
    n_ent = ent_emb.shape[0]
    lo_n = (n_ent // (2 * IDX_MINOR)) * IDX_MINOR
    mid = 2 * lo_n
    tail_n = n_ent - mid
    shp = (batch // IDX_MINOR, IDX_MINOR)
    pos = jnp.arange(batch, dtype=jnp.int32)

    def split_idx(idx):
        idx = idx.astype(jnp.int32)
        pad = lo_n + (pos % IDX_MINOR)
        lo = jnp.where(idx < lo_n, idx, pad)
        hi = jnp.where((idx >= lo_n) & (idx < mid), idx - lo_n, pad)
        ta = jnp.where(idx >= mid, idx - mid,
                       tail_n + (pos % (IDX_MINOR - tail_n)))
        return lo.reshape(shp), hi.reshape(shp), ta.reshape(shp)

    ih_lo, ih_hi, ih_ta = split_idx(batch_h)
    it_lo, it_hi, it_ta = split_idx(batch_t)
    ir = batch_r.astype(jnp.int32).reshape(shp)
    tail_t = jnp.pad(ent_emb[mid:].T, ((0, 0), (0, IDX_MINOR - tail_n)))
    partial = _sc_partial(ent_emb.T, rel_emb.T, tail_t,
                          ih_lo, ih_hi, ih_ta, it_lo, it_hi, it_ta, ir,
                          batch, n_ent, rel_emb.shape[0], lo_n)
    return pl.pallas_call(
        _tc_score_body,
        out_shape=jax.ShapeDtypeStruct((batch,), jnp.float32),
    )(partial)

# --- scband reference (transcript-rebuilt; emitter-appended) ---
"""Pipeline reference for scband-model-43319040147885 (READ-ONLY COPY).

The authoritative reference and input builder live on the scoring server;
editing this copy changes nothing except your own understanding.
"""

import jax, jax.numpy as jnp
import numpy as np

ENT_TOT = 1000000
REL_TOT = 1000
DIM = 64
B = 16384


def setup_inputs(seed: int = 0) -> dict:
    key = jax.random.key(seed)
    k1, k2, k3, k4, k5 = jax.random.split(key, 5)
    batch_h = jax.random.randint(k1, (B,), 0, ENT_TOT)
    batch_r = jax.random.randint(k2, (B,), 0, REL_TOT)
    batch_t = jax.random.randint(k3, (B,), 0, ENT_TOT)
    # xavier_uniform-style init for embedding tables
    bound_e = float(np.sqrt(6.0 / (ENT_TOT + DIM)))
    bound_r = float(np.sqrt(6.0 / (REL_TOT + DIM)))
    ent_emb = jax.random.uniform(k4, (ENT_TOT, DIM), minval=-bound_e, maxval=bound_e, dtype=jnp.float32)
    rel_emb = jax.random.uniform(k5, (REL_TOT, DIM), minval=-bound_r, maxval=bound_r, dtype=jnp.float32)
    return {
        "batch_h": batch_h,
        "batch_r": batch_r,
        "batch_t": batch_t,
        "ent_emb": ent_emb,
        "rel_emb": rel_emb,
    }


def reference(batch_h, batch_r, batch_t, ent_emb, rel_emb):
    # get_head_embeddings / get_relation_embeddings / get_tail_embeddings:
    # embedding gathers from the entity / relation tables
    head_emb = jnp.take(ent_emb, batch_h, axis=0)
    rel = jnp.take(rel_emb, batch_r, axis=0)
    tail_emb = jnp.take(ent_emb, batch_t, axis=0)
    # return_score(): canonical TransE-style score (subclass implementation)
    # score = -||h + r - t||_2, then .flatten() as in forward()
    diff = head_emb + rel - tail_emb
    scores = -jnp.sqrt(jnp.sum(diff * diff, axis=-1) + 1e-12)
    return scores.flatten()

if __name__ == "__main__":
    import jax
    _d = setup_inputs()
    print(jax.jit(kernel)(*tuple(_d.values())))

</pallas_src>

<mosaic_0001>
#map = affine_map<(d0, d1) -> (0, 0)>
module attributes {stable_mosaic.version = 14 : i64} {
  func.func @sc_kernel(%arg0: i32, %arg1: i32, %arg2: memref<64x1000000xf32, #tpu.memory_space<hbm>>, %arg3: memref<64x1000xf32, #tpu.memory_space<hbm>>, %arg4: memref<64x128xf32, #tpu.memory_space<hbm>>, %arg5: memref<128x128xi32, #tpu.memory_space<hbm>>, %arg6: memref<128x128xi32, #tpu.memory_space<hbm>>, %arg7: memref<128x128xi32, #tpu.memory_space<hbm>>, %arg8: memref<128x128xi32, #tpu.memory_space<hbm>>, %arg9: memref<128x128xi32, #tpu.memory_space<hbm>>, %arg10: memref<128x128xi32, #tpu.memory_space<hbm>>, %arg11: memref<128x128xi32, #tpu.memory_space<hbm>>, %arg12: memref<2x16384xf32, #tpu.memory_space<hbm>>, %arg13: memref<500096xf32, #tpu.memory_space<vmem_shared>>, %arg14: memref<500096xf32, #tpu.memory_space<vmem_shared>>, %arg15: memref<32x1000xf32, #tpu.memory_space<vmem>>, %arg16: memref<32x128xf32, #tpu.memory_space<vmem>>, %arg17: memref<8x128xi32, #tpu.memory_space<vmem>>, %arg18: memref<8x128xi32, #tpu.memory_space<vmem>>, %arg19: memref<8x128xi32, #tpu.memory_space<vmem>>, %arg20: memref<8x128xi32, #tpu.memory_space<vmem>>, %arg21: memref<8x128xi32, #tpu.memory_space<vmem>>, %arg22: memref<8x128xi32, #tpu.memory_space<vmem>>, %arg23: memref<8x128xi32, #tpu.memory_space<vmem>>, %arg24: memref<1024xf32, #tpu.memory_space<vmem>>, %arg25: memref<1024xf32, #tpu.memory_space<vmem>>, %arg26: memref<1024xf32, #tpu.memory_space<vmem>>, %arg27: memref<1024xf32, #tpu.memory_space<vmem>>, %arg28: memref<1024xf32, #tpu.memory_space<vmem>>, %arg29: memref<!tpu.dma_semaphore, #tpu.memory_space<semaphore_mem>>, %arg30: memref<!tpu.dma_semaphore, #tpu.memory_space<semaphore_mem>>, %arg31: memref<!tpu.dma_semaphore, #tpu.memory_space<semaphore_mem>>) attributes {dimension_semantics = [#tpu.dimension_semantics<core_parallel>, #tpu.dimension_semantics<subcore_parallel>], iteration_bounds = array<i64: 2, 16>, scalar_prefetch = 0 : i64, scratch_operands = 19 : i64, tpu.core_type = #tpu.core_type<sc_vector_subcore>, window_params = [{transform_indices = #map}, {transform_indices = #map}, {transform_indices = #map}, {transform_indices = #map}, {transform_indices = #map}, {transform_indices = #map}, {transform_indices = #map}, {transform_indices = #map}, {transform_indices = #map}, {transform_indices = #map}, {transform_indices = #map}]} {
    %mul3A = arith.constant 32 : i32
    %mul3A_0 = arith.muli %arg0, %mul3A : i32
    %mul3A_1 = arith.constant 8 : i32
    %mul3A_2 = arith.muli %arg1, %mul3A_1 : i32
    "tpu.region"() ({
      %run_scoped3A = tpu.sem_alloc : memref<!tpu.dma_semaphore, #tpu.memory_space<semaphore_mem>>
      %dma_start3A = arith.constant 0 : i32
      %dma_start3A_32 = tpu.memref_slice %arg5[%mul3A_2, %dma_start3A] : memref<128x128xi32, #tpu.memory_space<hbm>> -> memref<8x128xi32, #tpu.memory_space<hbm>>
      %dma_start3A_33 = arith.constant 0 : i32
      %dma_start3A_34 = tpu.memref_slice %arg5[%mul3A_2, %dma_start3A_33] : memref<128x128xi32, #tpu.memory_space<hbm>> -> memref<8x128xi32, #tpu.memory_space<hbm>>
      tpu.enqueue_dma source(%dma_start3A_34 : memref<8x128xi32, #tpu.memory_space<hbm>>) target(%arg17 : memref<8x128xi32, #tpu.memory_space<vmem>>) target_semaphore(%run_scoped3A : memref<!tpu.dma_semaphore, #tpu.memory_space<semaphore_mem>>)
      %dma_wait3A = arith.constant 0 : i32
      %dma_wait3A_35 = tpu.memref_slice %arg5[%mul3A_2, %dma_wait3A] : memref<128x128xi32, #tpu.memory_space<hbm>> -> memref<8x128xi32, #tpu.memory_space<hbm>>
      %dma_wait3A_36 = arith.constant 0 : i32
      %dma_wait3A_37 = tpu.memref_slice %arg5[%mul3A_2, %dma_wait3A_36] : memref<128x128xi32, #tpu.memory_space<hbm>> -> memref<8x128xi32, #tpu.memory_space<hbm>>
      tpu.wait_dma2 semaphore(%run_scoped3A : memref<!tpu.dma_semaphore, #tpu.memory_space<semaphore_mem>>) src(%dma_wait3A_37 : memref<8x128xi32, #tpu.memory_space<hbm>>) dst(%arg17 : memref<8x128xi32, #tpu.memory_space<vmem>>)
      tpu.yield
    }) : () -> ()
    "tpu.region"() ({
      %run_scoped3A = tpu.sem_alloc : memref<!tpu.dma_semaphore, #tpu.memory_space<semaphore_mem>>
      %dma_start3A = arith.constant 0 : i32
      %dma_start3A_32 = tpu.memref_slice %arg6[%mul3A_2, %dma_start3A] : memref<128x128xi32, #tpu.memory_space<hbm>> -> memref<8x128xi32, #tpu.memory_space<hbm>>
      %dma_start3A_33 = arith.constant 0 : i32
      %dma_start3A_34 = tpu.memref_slice %arg6[%mul3A_2, %dma_start3A_33] : memref<128x128xi32, #tpu.memory_space<hbm>> -> memref<8x128xi32, #tpu.memory_space<hbm>>
      tpu.enqueue_dma source(%dma_start3A_34 : memref<8x128xi32, #tpu.memory_space<hbm>>) target(%arg18 : memref<8x128xi32, #tpu.memory_space<vmem>>) target_semaphore(%run_scoped3A : memref<!tpu.dma_semaphore, #tpu.memory_space<semaphore_mem>>)
      %dma_wait3A = arith.constant 0 : i32
      %dma_wait3A_35 = tpu.memref_slice %arg6[%mul3A_2, %dma_wait3A] : memref<128x128xi32, #tpu.memory_space<hbm>> -> memref<8x128xi32, #tpu.memory_space<hbm>>
      %dma_wait3A_36 = arith.constant 0 : i32
      %dma_wait3A_37 = tpu.memref_slice %arg6[%mul3A_2, %dma_wait3A_36] : memref<128x128xi32, #tpu.memory_space<hbm>> -> memref<8x128xi32, #tpu.memory_space<hbm>>
      tpu.wait_dma2 semaphore(%run_scoped3A : memref<!tpu.dma_semaphore, #tpu.memory_space<semaphore_mem>>) src(%dma_wait3A_37 : memref<8x128xi32, #tpu.memory_space<hbm>>) dst(%arg18 : memref<8x128xi32, #tpu.memory_space<vmem>>)
      tpu.yield
    }) : () -> ()
    "tpu.region"() ({
      %run_scoped3A = tpu.sem_alloc : memref<!tpu.dma_semaphore, #tpu.memory_space<semaphore_mem>>
      %dma_start3A = arith.constant 0 : i32
      %dma_start3A_32 = tpu.memref_slice %arg7[%mul3A_2, %dma_start3A] : memref<128x128xi32, #tpu.memory_space<hbm>> -> memref<8x128xi32, #tpu.memory_space<hbm>>
      %dma_start3A_33 = arith.constant 0 : i32
      %dma_start3A_34 = tpu.memref_slice %arg7[%mul3A_2, %dma_start3A_33] : memref<128x128xi32, #tpu.memory_space<hbm>> -> memref<8x128xi32, #tpu.memory_space<hbm>>
      tpu.enqueue_dma source(%dma_start3A_34 : memref<8x128xi32, #tpu.memory_space<hbm>>) target(%arg19 : memref<8x128xi32, #tpu.memory_space<vmem>>) target_semaphore(%run_scoped3A : memref<!tpu.dma_semaphore, #tpu.memory_space<semaphore_mem>>)
      %dma_wait3A = arith.constant 0 : i32
      %dma_wait3A_35 = tpu.memref_slice %arg7[%mul3A_2, %dma_wait3A] : memref<128x128xi32, #tpu.memory_space<hbm>> -> memref<8x128xi32, #tpu.memory_space<hbm>>
      %dma_wait3A_36 = arith.constant 0 : i32
      %dma_wait3A_37 = tpu.memref_slice %arg7[%mul3A_2, %dma_wait3A_36] : memref<128x128xi32, #tpu.memory_space<hbm>> -> memref<8x128xi32, #tpu.memory_space<hbm>>
      tpu.wait_dma2 semaphore(%run_scoped3A : memref<!tpu.dma_semaphore, #tpu.memory_space<semaphore_mem>>) src(%dma_wait3A_37 : memref<8x128xi32, #tpu.memory_space<hbm>>) dst(%arg19 : memref<8x128xi32, #tpu.memory_space<vmem>>)
      tpu.yield
    }) : () -> ()
    "tpu.region"() ({
      %run_scoped3A = tpu.sem_alloc : memref<!tpu.dma_semaphore, #tpu.memory_space<semaphore_mem>>
      %dma_start3A = arith.constant 0 : i32
      %dma_start3A_32 = tpu.memref_slice %arg8[%mul3A_2, %dma_start3A] : memref<128x128xi32, #tpu.memory_space<hbm>> -> memref<8x128xi32, #tpu.memory_space<hbm>>
      %dma_start3A_33 = arith.constant 0 : i32
      %dma_start3A_34 = tpu.memref_slice %arg8[%mul3A_2, %dma_start3A_33] : memref<128x128xi32, #tpu.memory_space<hbm>> -> memref<8x128xi32, #tpu.memory_space<hbm>>
      tpu.enqueue_dma source(%dma_start3A_34 : memref<8x128xi32, #tpu.memory_space<hbm>>) target(%arg20 : memref<8x128xi32, #tpu.memory_space<vmem>>) target_semaphore(%run_scoped3A : memref<!tpu.dma_semaphore, #tpu.memory_space<semaphore_mem>>)
      %dma_wait3A = arith.constant 0 : i32
      %dma_wait3A_35 = tpu.memref_slice %arg8[%mul3A_2, %dma_wait3A] : memref<128x128xi32, #tpu.memory_space<hbm>> -> memref<8x128xi32, #tpu.memory_space<hbm>>
      %dma_wait3A_36 = arith.constant 0 : i32
      %dma_wait3A_37 = tpu.memref_slice %arg8[%mul3A_2, %dma_wait3A_36] : memref<128x128xi32, #tpu.memory_space<hbm>> -> memref<8x128xi32, #tpu.memory_space<hbm>>
      tpu.wait_dma2 semaphore(%run_scoped3A : memref<!tpu.dma_semaphore, #tpu.memory_space<semaphore_mem>>) src(%dma_wait3A_37 : memref<8x128xi32, #tpu.memory_space<hbm>>) dst(%arg20 : memref<8x128xi32, #tpu.memory_space<vmem>>)
      tpu.yield
    }) : () -> ()
    "tpu.region"() ({
      %run_scoped3A = tpu.sem_alloc : memref<!tpu.dma_semaphore, #tpu.memory_space<semaphore_mem>>
      %dma_start3A = arith.constant 0 : i32
      %dma_start3A_32 = tpu.memref_slice %arg9[%mul3A_2, %dma_start3A] : memref<128x128xi32, #tpu.memory_space<hbm>> -> memref<8x128xi32, #tpu.memory_space<hbm>>
      %dma_start3A_33 = arith.constant 0 : i32
      %dma_start3A_34 = tpu.memref_slice %arg9[%mul3A_2, %dma_start3A_33] : memref<128x128xi32, #tpu.memory_space<hbm>> -> memref<8x128xi32, #tpu.memory_space<hbm>>
      tpu.enqueue_dma source(%dma_start3A_34 : memref<8x128xi32, #tpu.memory_space<hbm>>) target(%arg21 : memref<8x128xi32, #tpu.memory_space<vmem>>) target_semaphore(%run_scoped3A : memref<!tpu.dma_semaphore, #tpu.memory_space<semaphore_mem>>)
      %dma_wait3A = arith.constant 0 : i32
      %dma_wait3A_35 = tpu.memref_slice %arg9[%mul3A_2, %dma_wait3A] : memref<128x128xi32, #tpu.memory_space<hbm>> -> memref<8x128xi32, #tpu.memory_space<hbm>>
      %dma_wait3A_36 = arith.constant 0 : i32
      %dma_wait3A_37 = tpu.memref_slice %arg9[%mul3A_2, %dma_wait3A_36] : memref<128x128xi32, #tpu.memory_space<hbm>> -> memref<8x128xi32, #tpu.memory_space<hbm>>
      tpu.wait_dma2 semaphore(%run_scoped3A : memref<!tpu.dma_semaphore, #tpu.memory_space<semaphore_mem>>) src(%dma_wait3A_37 : memref<8x128xi32, #tpu.memory_space<hbm>>) dst(%arg21 : memref<8x128xi32, #tpu.memory_space<vmem>>)
      tpu.yield
    }) : () -> ()
    "tpu.region"() ({
      %run_scoped3A = tpu.sem_alloc : memref<!tpu.dma_semaphore, #tpu.memory_space<semaphore_mem>>
      %dma_start3A = arith.constant 0 : i32
      %dma_start3A_32 = tpu.memref_slice %arg10[%mul3A_2, %dma_start3A] : memref<128x128xi32, #tpu.memory_space<hbm>> -> memref<8x128xi32, #tpu.memory_space<hbm>>
      %dma_start3A_33 = arith.constant 0 : i32
      %dma_start3A_34 = tpu.memref_slice %arg10[%mul3A_2, %dma_start3A_33] : memref<128x128xi32, #tpu.memory_space<hbm>> -> memref<8x128xi32, #tpu.memory_space<hbm>>
      tpu.enqueue_dma source(%dma_start3A_34 : memref<8x128xi32, #tpu.memory_space<hbm>>) target(%arg22 : memref<8x128xi32, #tpu.memory_space<vmem>>) target_semaphore(%run_scoped3A : memref<!tpu.dma_semaphore, #tpu.memory_space<semaphore_mem>>)
      %dma_wait3A = arith.constant 0 : i32
      %dma_wait3A_35 = tpu.memref_slice %arg10[%mul3A_2, %dma_wait3A] : memref<128x128xi32, #tpu.memory_space<hbm>> -> memref<8x128xi32, #tpu.memory_space<hbm>>
      %dma_wait3A_36 = arith.constant 0 : i32
      %dma_wait3A_37 = tpu.memref_slice %arg10[%mul3A_2, %dma_wait3A_36] : memref<128x128xi32, #tpu.memory_space<hbm>> -> memref<8x128xi32, #tpu.memory_space<hbm>>
      tpu.wait_dma2 semaphore(%run_scoped3A : memref<!tpu.dma_semaphore, #tpu.memory_space<semaphore_mem>>) src(%dma_wait3A_37 : memref<8x128xi32, #tpu.memory_space<hbm>>) dst(%arg22 : memref<8x128xi32, #tpu.memory_space<vmem>>)
      tpu.yield
    }) : () -> ()
    "tpu.region"() ({
      %run_scoped3A = tpu.sem_alloc : memref<!tpu.dma_semaphore, #tpu.memory_space<semaphore_mem>>
      %dma_start3A = arith.constant 0 : i32
      %dma_start3A_32 = tpu.memref_slice %arg11[%mul3A_2, %dma_start3A] : memref<128x128xi32, #tpu.memory_space<hbm>> -> memref<8x128xi32, #tpu.memory_space<hbm>>
      %dma_start3A_33 = arith.constant 0 : i32
      %dma_start3A_34 = tpu.memref_slice %arg11[%mul3A_2, %dma_start3A_33] : memref<128x128xi32, #tpu.memory_space<hbm>> -> memref<8x128xi32, #tpu.memory_space<hbm>>
      tpu.enqueue_dma source(%dma_start3A_34 : memref<8x128xi32, #tpu.memory_space<hbm>>) target(%arg23 : memref<8x128xi32, #tpu.memory_space<vmem>>) target_semaphore(%run_scoped3A : memref<!tpu.dma_semaphore, #tpu.memory_space<semaphore_mem>>)
      %dma_wait3A = arith.constant 0 : i32
      %dma_wait3A_35 = tpu.memref_slice %arg11[%mul3A_2, %dma_wait3A] : memref<128x128xi32, #tpu.memory_space<hbm>> -> memref<8x128xi32, #tpu.memory_space<hbm>>
      %dma_wait3A_36 = arith.constant 0 : i32
      %dma_wait3A_37 = tpu.memref_slice %arg11[%mul3A_2, %dma_wait3A_36] : memref<128x128xi32, #tpu.memory_space<hbm>> -> memref<8x128xi32, #tpu.memory_space<hbm>>
      tpu.wait_dma2 semaphore(%run_scoped3A : memref<!tpu.dma_semaphore, #tpu.memory_space<semaphore_mem>>) src(%dma_wait3A_37 : memref<8x128xi32, #tpu.memory_space<hbm>>) dst(%arg23 : memref<8x128xi32, #tpu.memory_space<vmem>>)
      tpu.yield
    }) : () -> ()
    "tpu.region"() ({
      %run_scoped3A = tpu.sem_alloc : memref<!tpu.dma_semaphore, #tpu.memory_space<semaphore_mem>>
      %dma_start3A = arith.constant 0 : i32
      %dma_start3A_32 = tpu.memref_slice %arg3[%mul3A_0, %dma_start3A] : memref<64x1000xf32, #tpu.memory_space<hbm>> -> memref<32x1000xf32, #tpu.memory_space<hbm>>
      %dma_start3A_33 = arith.constant 0 : i32
      %dma_start3A_34 = tpu.memref_slice %arg3[%mul3A_0, %dma_start3A_33] : memref<64x1000xf32, #tpu.memory_space<hbm>> -> memref<32x1000xf32, #tpu.memory_space<hbm>>
      tpu.enqueue_dma source(%dma_start3A_34 : memref<32x1000xf32, #tpu.memory_space<hbm>>) target(%arg15 : memref<32x1000xf32, #tpu.memory_space<vmem>>) target_semaphore(%run_scoped3A : memref<!tpu.dma_semaphore, #tpu.memory_space<semaphore_mem>>)
      %dma_wait3A = arith.constant 0 : i32
      %dma_wait3A_35 = tpu.memref_slice %arg3[%mul3A_0, %dma_wait3A] : memref<64x1000xf32, #tpu.memory_space<hbm>> -> memref<32x1000xf32, #tpu.memory_space<hbm>>
      %dma_wait3A_36 = arith.constant 0 : i32
      %dma_wait3A_37 = tpu.memref_slice %arg3[%mul3A_0, %dma_wait3A_36] : memref<64x1000xf32, #tpu.memory_space<hbm>> -> memref<32x1000xf32, #tpu.memory_space<hbm>>
      tpu.wait_dma2 semaphore(%run_scoped3A : memref<!tpu.dma_semaphore, #tpu.memory_space<semaphore_mem>>) src(%dma_wait3A_37 : memref<32x1000xf32, #tpu.memory_space<hbm>>) dst(%arg15 : memref<32x1000xf32, #tpu.memory_space<vmem>>)
      tpu.yield
    }) : () -> ()
    "tpu.region"() ({
      %run_scoped3A = tpu.sem_alloc : memref<!tpu.dma_semaphore, #tpu.memory_space<semaphore_mem>>
      %dma_start3A = arith.constant 0 : i32
      %dma_start3A_32 = tpu.memref_slice %arg4[%mul3A_0, %dma_start3A] : memref<64x128xf32, #tpu.memory_space<hbm>> -> memref<32x128xf32, #tpu.memory_space<hbm>>
      %dma_start3A_33 = arith.constant 0 : i32
      %dma_start3A_34 = tpu.memref_slice %arg4[%mul3A_0, %dma_start3A_33] : memref<64x128xf32, #tpu.memory_space<hbm>> -> memref<32x128xf32, #tpu.memory_space<hbm>>
      tpu.enqueue_dma source(%dma_start3A_34 : memref<32x128xf32, #tpu.memory_space<hbm>>) target(%arg16 : memref<32x128xf32, #tpu.memory_space<vmem>>) target_semaphore(%run_scoped3A : memref<!tpu.dma_semaphore, #tpu.memory_space<semaphore_mem>>)
      %dma_wait3A = arith.constant 0 : i32
      %dma_wait3A_35 = tpu.memref_slice %arg4[%mul3A_0, %dma_wait3A] : memref<64x128xf32, #tpu.memory_space<hbm>> -> memref<32x128xf32, #tpu.memory_space<hbm>>
      %dma_wait3A_36 = arith.constant 0 : i32
      %dma_wait3A_37 = tpu.memref_slice %arg4[%mul3A_0, %dma_wait3A_36] : memref<64x128xf32, #tpu.memory_space<hbm>> -> memref<32x128xf32, #tpu.memory_space<hbm>>
      tpu.wait_dma2 semaphore(%run_scoped3A : memref<!tpu.dma_semaphore, #tpu.memory_space<semaphore_mem>>) src(%dma_wait3A_37 : memref<32x128xf32, #tpu.memory_space<hbm>>) dst(%arg16 : memref<32x128xf32, #tpu.memory_space<vmem>>)
      tpu.yield
    }) : () -> ()
    %broadcast_in_dim3A = arith.constant 0.000000e+00 : f32
    %broadcast_in_dim3A_3 = vector.broadcast %broadcast_in_dim3A : f32 to vector<16xf32>
    %scan3A = arith.constant 0 : i32
    %scan3A_4 = arith.constant 64 : i32
    %scan3A_5 = arith.addi %scan3A, %scan3A_4 : i32
    %scan3A_6 = arith.constant 1 : i32
    scf.for %scan3A_32 = %scan3A to %scan3A_5 step %scan3A_6  : i32 {
      %mul3A_33 = arith.constant 1 : i32
      %mul3A_34 = arith.muli %scan3A_32, %mul3A_33 : i32
      %add3A = arith.constant 0 : i32
      %add3A_35 = arith.addi %add3A, %mul3A_34 : i32
      %mul3A_36 = arith.constant 16 : i32
      %mul3A_37 = arith.muli %add3A_35, %mul3A_36 : i32
      %swap3A = arith.index_cast %mul3A_37 : i32 to index
      %swap3A_38 = tpu.vector_load %arg28[%swap3A] {strides = array<i32>} : memref<1024xf32, #tpu.memory_space<vmem>>, vector<16xf32>,
      tpu.vector_store %arg28[%swap3A], %broadcast_in_dim3A_3 {strides = array<i32>} : memref<1024xf32, #tpu.memory_space<vmem>>, vector<16xf32>,
    }
    %scan3A_7 = arith.constant 64 : i32
    %eq3A = arith.constant 0 : i32
    %eq3A_8 = arith.cmpi eq, %arg1, %eq3A : i32
    %convert_element_type3A = arith.extui %eq3A_8 : i1 to i32
    %cond3A = arith.constant 0 : i32
    %cond3A_9 = arith.cmpi ne, %convert_element_type3A, %cond3A : i32
    scf.if %cond3A_9 {
      "tpu.region"() ({
        %run_scoped3A = tpu.sem_alloc : memref<!tpu.dma_semaphore, #tpu.memory_space<semaphore_mem>>
        %dma_start3A_39 = arith.constant 0 : i32
        %dma_start3A_40 = tpu.memref_slice %arg28[%dma_start3A_39] : memref<1024xf32, #tpu.memory_space<vmem>> -> memref<128xf32, #tpu.memory_space<vmem>>
        %dma_start3A_41 = arith.constant 499968 : i32
        %dma_start3A_42 = tpu.memref_slice %arg13[%dma_start3A_41] : memref<500096xf32, #tpu.memory_space<vmem_shared>> -> memref<128xf32, #tpu.memory_space<vmem_shared>>
        %dma_start3A_43 = arith.constant 499968 : i32
        %dma_start3A_44 = tpu.memref_slice %arg13[%dma_start3A_43] : memref<500096xf32, #tpu.memory_space<vmem_shared>> -> memref<128xf32, #tpu.memory_space<vmem_shared>>
        %dma_start3A_45 = arith.constant 0 : i32
        %dma_start3A_46 = tpu.memref_slice %arg28[%dma_start3A_45] : memref<1024xf32, #tpu.memory_space<vmem>> -> memref<128xf32, #tpu.memory_space<vmem>>
        tpu.enqueue_dma source(%dma_start3A_46 : memref<128xf32, #tpu.memory_space<vmem>>) target(%dma_start3A_44 : memref<128xf32, #tpu.memory_space<vmem_shared>>) target_semaphore(%run_scoped3A : memref<!tpu.dma_semaphore, #tpu.memory_space<semaphore_mem>>)
        %dma_wait3A = arith.constant 0 : i32
        %dma_wait3A_47 = tpu.memref_slice %arg28[%dma_wait3A] : memref<1024xf32, #tpu.memory_space<vmem>> -> memref<128xf32, #tpu.memory_space<vmem>>
        %dma_wait3A_48 = arith.constant 499968 : i32
        %dma_wait3A_49 = tpu.memref_slice %arg13[%dma_wait3A_48] : memref<500096xf32, #tpu.memory_space<vmem_shared>> -> memref<128xf32, #tpu.memory_space<vmem_shared>>
        %dma_wait3A_50 = arith.constant 499968 : i32
        %dma_wait3A_51 = tpu.memref_slice %arg13[%dma_wait3A_50] : memref<500096xf32, #tpu.memory_space<vmem_shared>> -> memref<128xf32, #tpu.memory_space<vmem_shared>>
        %dma_wait3A_52 = arith.constant 0 : i32
        %dma_wait3A_53 = tpu.memref_slice %arg28[%dma_wait3A_52] : memref<1024xf32, #tpu.memory_space<vmem>> -> memref<128xf32, #tpu.memory_space<vmem>>
        tpu.wait_dma2 semaphore(%run_scoped3A : memref<!tpu.dma_semaphore, #tpu.memory_space<semaphore_mem>>) src(%dma_wait3A_53 : memref<128xf32, #tpu.memory_space<vmem>>) dst(%dma_wait3A_51 : memref<128xf32, #tpu.memory_space<vmem_shared>>)
        tpu.yield
      }) : () -> ()
      %add3A = arith.constant 0 : i32
      %add3A_32 = arith.addi %mul3A_0, %add3A : i32
      %dma_start3A = arith.constant 0 : i32
      %dma_start3A_33 = tpu.memref_slice %arg13[%dma_start3A] : memref<500096xf32, #tpu.memory_space<vmem_shared>> -> memref<249984xf32, #tpu.memory_space<vmem_shared>>
      %dma_start3A_34 = arith.constant 0 : i32
      %dma_start3A_35 = tpu.memref_slice %arg2[%add3A_32, %dma_start3A_34] : memref<64x1000000xf32, #tpu.memory_space<hbm>> -> memref<1x1000000xf32, #tpu.memory_space<hbm>>
      %dma_start3A_36 = tpu.memref_squeeze %dma_start3A_35 : memref<1x1000000xf32, #tpu.memory_space<hbm>> -> memref<1000000xf32, #tpu.memory_space<hbm>>
      %dma_start3A_37 = arith.constant 0 : i32
      %dma_start3A_38 = tpu.memref_slice %dma_start3A_36[%dma_start3A_37] : memref<1000000xf32, #tpu.memory_space<hbm>> -> memref<249984xf32, #tpu.memory_space<hbm>>
      tpu.enqueue_dma source(%dma_start3A_38 : memref<249984xf32, #tpu.memory_space<hbm>>) target(%dma_start3A_33 : memref<249984xf32, #tpu.memory_space<vmem_shared>>) target_semaphore(%arg29 : memref<!tpu.dma_semaphore, #tpu.memory_space<semaphore_mem>>)
    } else {
    }
    %eq3A_10 = arith.constant 1 : i32
    %eq3A_11 = arith.cmpi eq, %arg1, %eq3A_10 : i32
    %convert_element_type3A_12 = arith.extui %eq3A_11 : i1 to i32
    %cond3A_13 = arith.constant 0 : i32
    %cond3A_14 = arith.cmpi ne, %convert_element_type3A_12, %cond3A_13 : i32
    scf.if %cond3A_14 {
      %add3A = arith.constant 0 : i32
      %add3A_32 = arith.addi %mul3A_0, %add3A : i32
      %dma_start3A = arith.constant 249984 : i32
      %dma_start3A_33 = tpu.memref_slice %arg13[%dma_start3A] : memref<500096xf32, #tpu.memory_space<vmem_shared>> -> memref<249984xf32, #tpu.memory_space<vmem_shared>>
      %dma_start3A_34 = arith.constant 0 : i32
      %dma_start3A_35 = tpu.memref_slice %arg2[%add3A_32, %dma_start3A_34] : memref<64x1000000xf32, #tpu.memory_space<hbm>> -> memref<1x1000000xf32, #tpu.memory_space<hbm>>
      %dma_start3A_36 = tpu.memref_squeeze %dma_start3A_35 : memref<1x1000000xf32, #tpu.memory_space<hbm>> -> memref<1000000xf32, #tpu.memory_space<hbm>>
      %dma_start3A_37 = arith.constant 249984 : i32
      %dma_start3A_38 = tpu.memref_slice %dma_start3A_36[%dma_start3A_37] : memref<1000000xf32, #tpu.memory_space<hbm>> -> memref<249984xf32, #tpu.memory_space<hbm>>
      tpu.enqueue_dma source(%dma_start3A_38 : memref<249984xf32, #tpu.memory_space<hbm>>) target(%dma_start3A_33 : memref<249984xf32, #tpu.memory_space<vmem_shared>>) target_semaphore(%arg29 : memref<!tpu.dma_semaphore, #tpu.memory_space<semaphore_mem>>)
    } else {
    }
    %eq3A_15 = arith.constant 2 : i32
    %eq3A_16 = arith.cmpi eq, %arg1, %eq3A_15 : i32
    %convert_element_type3A_17 = arith.extui %eq3A_16 : i1 to i32
    %cond3A_18 = arith.constant 0 : i32
    %cond3A_19 = arith.cmpi ne, %convert_element_type3A_17, %cond3A_18 : i32
    scf.if %cond3A_19 {
      "tpu.region"() ({
        %run_scoped3A = tpu.sem_alloc : memref<!tpu.dma_semaphore, #tpu.memory_space<semaphore_mem>>
        %dma_start3A_39 = arith.constant 0 : i32
        %dma_start3A_40 = tpu.memref_slice %arg28[%dma_start3A_39] : memref<1024xf32, #tpu.memory_space<vmem>> -> memref<128xf32, #tpu.memory_space<vmem>>
        %dma_start3A_41 = arith.constant 499968 : i32
        %dma_start3A_42 = tpu.memref_slice %arg14[%dma_start3A_41] : memref<500096xf32, #tpu.memory_space<vmem_shared>> -> memref<128xf32, #tpu.memory_space<vmem_shared>>
        %dma_start3A_43 = arith.constant 499968 : i32
        %dma_start3A_44 = tpu.memref_slice %arg14[%dma_start3A_43] : memref<500096xf32, #tpu.memory_space<vmem_shared>> -> memref<128xf32, #tpu.memory_space<vmem_shared>>
        %dma_start3A_45 = arith.constant 0 : i32
        %dma_start3A_46 = tpu.memref_slice %arg28[%dma_start3A_45] : memref<1024xf32, #tpu.memory_space<vmem>> -> memref<128xf32, #tpu.memory_space<vmem>>
        tpu.enqueue_dma source(%dma_start3A_46 : memref<128xf32, #tpu.memory_space<vmem>>) target(%dma_start3A_44 : memref<128xf32, #tpu.memory_space<vmem_shared>>) target_semaphore(%run_scoped3A : memref<!tpu.dma_semaphore, #tpu.memory_space<semaphore_mem>>)
        %dma_wait3A = arith.constant 0 : i32
        %dma_wait3A_47 = tpu.memref_slice %arg28[%dma_wait3A] : memref<1024xf32, #tpu.memory_space<vmem>> -> memref<128xf32, #tpu.memory_space<vmem>>
        %dma_wait3A_48 = arith.constant 499968 : i32
        %dma_wait3A_49 = tpu.memref_slice %arg14[%dma_wait3A_48] : memref<500096xf32, #tpu.memory_space<vmem_shared>> -> memref<128xf32, #tpu.memory_space<vmem_shared>>
        %dma_wait3A_50 = arith.constant 499968 : i32
        %dma_wait3A_51 = tpu.memref_slice %arg14[%dma_wait3A_50] : memref<500096xf32, #tpu.memory_space<vmem_shared>> -> memref<128xf32, #tpu.memory_space<vmem_shared>>
        %dma_wait3A_52 = arith.constant 0 : i32
        %dma_wait3A_53 = tpu.memref_slice %arg28[%dma_wait3A_52] : memref<1024xf32, #tpu.memory_space<vmem>> -> memref<128xf32, #tpu.memory_space<vmem>>
        tpu.wait_dma2 semaphore(%run_scoped3A : memref<!tpu.dma_semaphore, #tpu.memory_space<semaphore_mem>>) src(%dma_wait3A_53 : memref<128xf32, #tpu.memory_space<vmem>>) dst(%dma_wait3A_51 : memref<128xf32, #tpu.memory_space<vmem_shared>>)
        tpu.yield
      }) : () -> ()
      %add3A = arith.constant 0 : i32
      %add3A_32 = arith.addi %mul3A_0, %add3A : i32
      %dma_start3A = arith.constant 0 : i32
      %dma_start3A_33 = tpu.memref_slice %arg14[%dma_start3A] : memref<500096xf32, #tpu.memory_space<vmem_shared>> -> memref<249984xf32, #tpu.memory_space<vmem_shared>>
      %dma_start3A_34 = arith.constant 0 : i32
      %dma_start3A_35 = tpu.memref_slice %arg2[%add3A_32, %dma_start3A_34] : memref<64x1000000xf32, #tpu.memory_space<hbm>> -> memref<1x1000000xf32, #tpu.memory_space<hbm>>
      %dma_start3A_36 = tpu.memref_squeeze %dma_start3A_35 : memref<1x1000000xf32, #tpu.memory_space<hbm>> -> memref<1000000xf32, #tpu.memory_space<hbm>>
      %dma_start3A_37 = arith.constant 499968 : i32
      %dma_start3A_38 = tpu.memref_slice %dma_start3A_36[%dma_start3A_37] : memref<1000000xf32, #tpu.memory_space<hbm>> -> memref<249984xf32, #tpu.memory_space<hbm>>
      tpu.enqueue_dma source(%dma_start3A_38 : memref<249984xf32, #tpu.memory_space<hbm>>) target(%dma_start3A_33 : memref<249984xf32, #tpu.memory_space<vmem_shared>>) target_semaphore(%arg30 : memref<!tpu.dma_semaphore, #tpu.memory_space<semaphore_mem>>)
    } else {
    }
    %eq3A_20 = arith.constant 3 : i32
    %eq3A_21 = arith.cmpi eq, %arg1, %eq3A_20 : i32
    %convert_element_type3A_22 = arith.extui %eq3A_21 : i1 to i32
    %cond3A_23 = arith.constant 0 : i32
    %cond3A_24 = arith.cmpi ne, %convert_element_type3A_22, %cond3A_23 : i32
    scf.if %cond3A_24 {
      %add3A = arith.constant 0 : i32
      %add3A_32 = arith.addi %mul3A_0, %add3A : i32
      %dma_start3A = arith.constant 249984 : i32
      %dma_start3A_33 = tpu.memref_slice %arg14[%dma_start3A] : memref<500096xf32, #tpu.memory_space<vmem_shared>> -> memref<249984xf32, #tpu.memory_space<vmem_shared>>
      %dma_start3A_34 = arith.constant 0 : i32
      %dma_start3A_35 = tpu.memref_slice %arg2[%add3A_32, %dma_start3A_34] : memref<64x1000000xf32, #tpu.memory_space<hbm>> -> memref<1x1000000xf32, #tpu.memory_space<hbm>>
      %dma_start3A_36 = tpu.memref_squeeze %dma_start3A_35 : memref<1x1000000xf32, #tpu.memory_space<hbm>> -> memref<1000000xf32, #tpu.memory_space<hbm>>
      %dma_start3A_37 = arith.constant 749952 : i32
      %dma_start3A_38 = tpu.memref_slice %dma_start3A_36[%dma_start3A_37] : memref<1000000xf32, #tpu.memory_space<hbm>> -> memref<249984xf32, #tpu.memory_space<hbm>>
      tpu.enqueue_dma source(%dma_start3A_38 : memref<249984xf32, #tpu.memory_space<hbm>>) target(%dma_start3A_33 : memref<249984xf32, #tpu.memory_space<vmem_shared>>) target_semaphore(%arg30 : memref<!tpu.dma_semaphore, #tpu.memory_space<semaphore_mem>>)
    } else {
    }
    %scan3A_25 = arith.constant 0 : i32
    %scan3A_26 = arith.constant 32 : i32
    %scan3A_27 = arith.addi %scan3A_25, %scan3A_26 : i32
    %scan3A_28 = arith.constant 1 : i32
    scf.for %scan3A_32 = %scan3A_25 to %scan3A_27 step %scan3A_28  : i32 {
      %mul3A_33 = arith.constant 1 : i32
      %mul3A_34 = arith.muli %scan3A_32, %mul3A_33 : i32
      %add3A = arith.constant 0 : i32
      %add3A_35 = arith.addi %add3A, %mul3A_34 : i32
      %eq3A_36 = arith.constant 0 : i32
      %eq3A_37 = arith.cmpi eq, %arg1, %eq3A_36 : i32
      %convert_element_type3A_38 = arith.extui %eq3A_37 : i1 to i32
      %cond3A_39 = arith.constant 0 : i32
      %cond3A_40 = arith.cmpi ne, %convert_element_type3A_38, %cond3A_39 : i32
      scf.if %cond3A_40 {
        %add3A_92 = arith.addi %mul3A_0, %add3A_35 : i32
        %dma_wait3A = arith.constant 0 : i32
        %dma_wait3A_93 = tpu.memref_slice %arg13[%dma_wait3A] : memref<500096xf32, #tpu.memory_space<vmem_shared>> -> memref<249984xf32, #tpu.memory_space<vmem_shared>>
        %dma_wait3A_94 = arith.constant 0 : i32
        %dma_wait3A_95 = tpu.memref_slice %arg2[%add3A_92, %dma_wait3A_94] : memref<64x1000000xf32, #tpu.memory_space<hbm>> -> memref<1x1000000xf32, #tpu.memory_space<hbm>>
        %dma_wait3A_96 = tpu.memref_squeeze %dma_wait3A_95 : memref<1x1000000xf32, #tpu.memory_space<hbm>> -> memref<1000000xf32, #tpu.memory_space<hbm>>
        %dma_wait3A_97 = arith.constant 0 : i32
        %dma_wait3A_98 = tpu.memref_slice %dma_wait3A_96[%dma_wait3A_97] : memref<1000000xf32, #tpu.memory_space<hbm>> -> memref<249984xf32, #tpu.memory_space<hbm>>
        tpu.wait_dma2 semaphore(%arg29 : memref<!tpu.dma_semaphore, #tpu.memory_space<semaphore_mem>>) src(%dma_wait3A_98 : memref<249984xf32, #tpu.memory_space<hbm>>) dst(%dma_wait3A_93 : memref<249984xf32, #tpu.memory_space<vmem_shared>>)
      } else {
      }
      %eq3A_41 = arith.constant 1 : i32
      %eq3A_42 = arith.cmpi eq, %arg1, %eq3A_41 : i32
      %convert_element_type3A_43 = arith.extui %eq3A_42 : i1 to i32
      %cond3A_44 = arith.constant 0 : i32
      %cond3A_45 = arith.cmpi ne, %convert_element_type3A_43, %cond3A_44 : i32
      scf.if %cond3A_45 {
        %add3A_92 = arith.addi %mul3A_0, %add3A_35 : i32
        %dma_wait3A = arith.constant 249984 : i32
        %dma_wait3A_93 = tpu.memref_slice %arg13[%dma_wait3A] : memref<500096xf32, #tpu.memory_space<vmem_shared>> -> memref<249984xf32, #tpu.memory_space<vmem_shared>>
        %dma_wait3A_94 = arith.constant 0 : i32
        %dma_wait3A_95 = tpu.memref_slice %arg2[%add3A_92, %dma_wait3A_94] : memref<64x1000000xf32, #tpu.memory_space<hbm>> -> memref<1x1000000xf32, #tpu.memory_space<hbm>>
        %dma_wait3A_96 = tpu.memref_squeeze %dma_wait3A_95 : memref<1x1000000xf32, #tpu.memory_space<hbm>> -> memref<1000000xf32, #tpu.memory_space<hbm>>
        %dma_wait3A_97 = arith.constant 249984 : i32
        %dma_wait3A_98 = tpu.memref_slice %dma_wait3A_96[%dma_wait3A_97] : memref<1000000xf32, #tpu.memory_space<hbm>> -> memref<249984xf32, #tpu.memory_space<hbm>>
        tpu.wait_dma2 semaphore(%arg29 : memref<!tpu.dma_semaphore, #tpu.memory_space<semaphore_mem>>) src(%dma_wait3A_98 : memref<249984xf32, #tpu.memory_space<hbm>>) dst(%dma_wait3A_93 : memref<249984xf32, #tpu.memory_space<vmem_shared>>)
      } else {
      }
      %barrier3A = arith.constant 0 : index
      tpu.barrier barrier_id(%barrier3A)
      %eq3A_46 = arith.constant 2 : i32
      %eq3A_47 = arith.cmpi eq, %arg1, %eq3A_46 : i32
      %convert_element_type3A_48 = arith.extui %eq3A_47 : i1 to i32
      %cond3A_49 = arith.constant 0 : i32
      %cond3A_50 = arith.cmpi ne, %convert_element_type3A_48, %cond3A_49 : i32
      scf.if %cond3A_50 {
        %add3A_92 = arith.addi %mul3A_0, %add3A_35 : i32
        %dma_wait3A = arith.constant 0 : i32
        %dma_wait3A_93 = tpu.memref_slice %arg14[%dma_wait3A] : memref<500096xf32, #tpu.memory_space<vmem_shared>> -> memref<249984xf32, #tpu.memory_space<vmem_shared>>
        %dma_wait3A_94 = arith.constant 0 : i32
        %dma_wait3A_95 = tpu.memref_slice %arg2[%add3A_92, %dma_wait3A_94] : memref<64x1000000xf32, #tpu.memory_space<hbm>> -> memref<1x1000000xf32, #tpu.memory_space<hbm>>
        %dma_wait3A_96 = tpu.memref_squeeze %dma_wait3A_95 : memref<1x1000000xf32, #tpu.memory_space<hbm>> -> memref<1000000xf32, #tpu.memory_space<hbm>>
        %dma_wait3A_97 = arith.constant 499968 : i32
        %dma_wait3A_98 = tpu.memref_slice %dma_wait3A_96[%dma_wait3A_97] : memref<1000000xf32, #tpu.memory_space<hbm>> -> memref<249984xf32, #tpu.memory_space<hbm>>
        tpu.wait_dma2 semaphore(%arg30 : memref<!tpu.dma_semaphore, #tpu.memory_space<semaphore_mem>>) src(%dma_wait3A_98 : memref<249984xf32, #tpu.memory_space<hbm>>) dst(%dma_wait3A_93 : memref<249984xf32, #tpu.memory_space<vmem_shared>>)
      } else {
      }
      %eq3A_51 = arith.constant 3 : i32
      %eq3A_52 = arith.cmpi eq, %arg1, %eq3A_51 : i32
      %convert_element_type3A_53 = arith.extui %eq3A_52 : i1 to i32
      %cond3A_54 = arith.constant 0 : i32
      %cond3A_55 = arith.cmpi ne, %convert_element_type3A_53, %cond3A_54 : i32
      scf.if %cond3A_55 {
        %add3A_92 = arith.addi %mul3A_0, %add3A_35 : i32
        %dma_wait3A = arith.constant 249984 : i32
        %dma_wait3A_93 = tpu.memref_slice %arg14[%dma_wait3A] : memref<500096xf32, #tpu.memory_space<vmem_shared>> -> memref<249984xf32, #tpu.memory_space<vmem_shared>>
        %dma_wait3A_94 = arith.constant 0 : i32
        %dma_wait3A_95 = tpu.memref_slice %arg2[%add3A_92, %dma_wait3A_94] : memref<64x1000000xf32, #tpu.memory_space<hbm>> -> memref<1x1000000xf32, #tpu.memory_space<hbm>>
        %dma_wait3A_96 = tpu.memref_squeeze %dma_wait3A_95 : memref<1x1000000xf32, #tpu.memory_space<hbm>> -> memref<1000000xf32, #tpu.memory_space<hbm>>
        %dma_wait3A_97 = arith.constant 749952 : i32
        %dma_wait3A_98 = tpu.memref_slice %dma_wait3A_96[%dma_wait3A_97] : memref<1000000xf32, #tpu.memory_space<hbm>> -> memref<249984xf32, #tpu.memory_space<hbm>>
        tpu.wait_dma2 semaphore(%arg30 : memref<!tpu.dma_semaphore, #tpu.memory_space<semaphore_mem>>) src(%dma_wait3A_98 : memref<249984xf32, #tpu.memory_space<hbm>>) dst(%dma_wait3A_93 : memref<249984xf32, #tpu.memory_space<vmem_shared>>)
      } else {
      }
      %barrier3A_56 = arith.constant 0 : index
      tpu.barrier barrier_id(%barrier3A_56)
      %eq3A_57 = arith.constant 0 : i32
      %eq3A_58 = arith.cmpi eq, %arg1, %eq3A_57 : i32
      %lt3A = arith.constant 31 : i32
      %lt3A_59 = arith.cmpi slt, %add3A_35, %lt3A : i32
      %and3A = arith.andi %eq3A_58, %lt3A_59 : i1
      %convert_element_type3A_60 = arith.extui %and3A : i1 to i32
      %cond3A_61 = arith.constant 0 : i32
      %cond3A_62 = arith.cmpi ne, %convert_element_type3A_60, %cond3A_61 : i32
      scf.if %cond3A_62 {
        %add3A_92 = arith.constant 1 : i32
        %add3A_93 = arith.addi %add3A_35, %add3A_92 : i32
        %add3A_94 = arith.addi %mul3A_0, %add3A_93 : i32
        %dma_start3A = arith.constant 0 : i32
        %dma_start3A_95 = tpu.memref_slice %arg13[%dma_start3A] : memref<500096xf32, #tpu.memory_space<vmem_shared>> -> memref<249984xf32, #tpu.memory_space<vmem_shared>>
        %dma_start3A_96 = arith.constant 0 : i32
        %dma_start3A_97 = tpu.memref_slice %arg2[%add3A_94, %dma_start3A_96] : memref<64x1000000xf32, #tpu.memory_space<hbm>> -> memref<1x1000000xf32, #tpu.memory_space<hbm>>
        %dma_start3A_98 = tpu.memref_squeeze %dma_start3A_97 : memref<1x1000000xf32, #tpu.memory_space<hbm>> -> memref<1000000xf32, #tpu.memory_space<hbm>>
        %dma_start3A_99 = arith.constant 0 : i32
        %dma_start3A_100 = tpu.memref_slice %dma_start3A_98[%dma_start3A_99] : memref<1000000xf32, #tpu.memory_space<hbm>> -> memref<249984xf32, #tpu.memory_space<hbm>>
        tpu.enqueue_dma source(%dma_start3A_100 : memref<249984xf32, #tpu.memory_space<hbm>>) target(%dma_start3A_95 : memref<249984xf32, #tpu.memory_space<vmem_shared>>) target_semaphore(%arg29 : memref<!tpu.dma_semaphore, #tpu.memory_space<semaphore_mem>>)
      } else {
      }
      %eq3A_63 = arith.constant 1 : i32
      %eq3A_64 = arith.cmpi eq, %arg1, %eq3A_63 : i32
      %lt3A_65 = arith.constant 31 : i32
      %lt3A_66 = arith.cmpi slt, %add3A_35, %lt3A_65 : i32
      %and3A_67 = arith.andi %eq3A_64, %lt3A_66 : i1
      %convert_element_type3A_68 = arith.extui %and3A_67 : i1 to i32
      %cond3A_69 = arith.constant 0 : i32
      %cond3A_70 = arith.cmpi ne, %convert_element_type3A_68, %cond3A_69 : i32
      scf.if %cond3A_70 {
        %add3A_92 = arith.constant 1 : i32
        %add3A_93 = arith.addi %add3A_35, %add3A_92 : i32
        %add3A_94 = arith.addi %mul3A_0, %add3A_93 : i32
        %dma_start3A = arith.constant 249984 : i32
        %dma_start3A_95 = tpu.memref_slice %arg13[%dma_start3A] : memref<500096xf32, #tpu.memory_space<vmem_shared>> -> memref<249984xf32, #tpu.memory_space<vmem_shared>>
        %dma_start3A_96 = arith.constant 0 : i32
        %dma_start3A_97 = tpu.memref_slice %arg2[%add3A_94, %dma_start3A_96] : memref<64x1000000xf32, #tpu.memory_space<hbm>> -> memref<1x1000000xf32, #tpu.memory_space<hbm>>
        %dma_start3A_98 = tpu.memref_squeeze %dma_start3A_97 : memref<1x1000000xf32, #tpu.memory_space<hbm>> -> memref<1000000xf32, #tpu.memory_space<hbm>>
        %dma_start3A_99 = arith.constant 249984 : i32
        %dma_start3A_100 = tpu.memref_slice %dma_start3A_98[%dma_start3A_99] : memref<1000000xf32, #tpu.memory_space<hbm>> -> memref<249984xf32, #tpu.memory_space<hbm>>
        tpu.enqueue_dma source(%dma_start3A_100 : memref<249984xf32, #tpu.memory_space<hbm>>) target(%dma_start3A_95 : memref<249984xf32, #tpu.memory_space<vmem_shared>>) target_semaphore(%arg29 : memref<!tpu.dma_semaphore, #tpu.memory_space<semaphore_mem>>)
      } else {
      }
      %barrier3A_71 = arith.constant 0 : index
      tpu.barrier barrier_id(%barrier3A_71)
      %eq3A_72 = arith.constant 2 : i32
      %eq3A_73 = arith.cmpi eq, %arg1, %eq3A_72 : i32
      %lt3A_74 = arith.constant 31 : i32
      %lt3A_75 = arith.cmpi slt, %add3A_35, %lt3A_74 : i32
      %and3A_76 = arith.andi %eq3A_73, %lt3A_75 : i1
      %convert_element_type3A_77 = arith.extui %and3A_76 : i1 to i32
      %cond3A_78 = arith.constant 0 : i32
      %cond3A_79 = arith.cmpi ne, %convert_element_type3A_77, %cond3A_78 : i32
      scf.if %cond3A_79 {
        %add3A_92 = arith.constant 1 : i32
        %add3A_93 = arith.addi %add3A_35, %add3A_92 : i32
        %add3A_94 = arith.addi %mul3A_0, %add3A_93 : i32
        %dma_start3A = arith.constant 0 : i32
        %dma_start3A_95 = tpu.memref_slice %arg14[%dma_start3A] : memref<500096xf32, #tpu.memory_space<vmem_shared>> -> memref<249984xf32, #tpu.memory_space<vmem_shared>>
        %dma_start3A_96 = arith.constant 0 : i32
        %dma_start3A_97 = tpu.memref_slice %arg2[%add3A_94, %dma_start3A_96] : memref<64x1000000xf32, #tpu.memory_space<hbm>> -> memref<1x1000000xf32, #tpu.memory_space<hbm>>
        %dma_start3A_98 = tpu.memref_squeeze %dma_start3A_97 : memref<1x1000000xf32, #tpu.memory_space<hbm>> -> memref<1000000xf32, #tpu.memory_space<hbm>>
        %dma_start3A_99 = arith.constant 499968 : i32
        %dma_start3A_100 = tpu.memref_slice %dma_start3A_98[%dma_start3A_99] : memref<1000000xf32, #tpu.memory_space<hbm>> -> memref<249984xf32, #tpu.memory_space<hbm>>
        tpu.enqueue_dma source(%dma_start3A_100 : memref<249984xf32, #tpu.memory_space<hbm>>) target(%dma_start3A_95 : memref<249984xf32, #tpu.memory_space<vmem_shared>>) target_semaphore(%arg30 : memref<!tpu.dma_semaphore, #tpu.memory_space<semaphore_mem>>)
      } else {
      }
      %eq3A_80 = arith.constant 3 : i32
      %eq3A_81 = arith.cmpi eq, %arg1, %eq3A_80 : i32
      %lt3A_82 = arith.constant 31 : i32
      %lt3A_83 = arith.cmpi slt, %add3A_35, %lt3A_82 : i32
      %and3A_84 = arith.andi %eq3A_81, %lt3A_83 : i1
      %convert_element_type3A_85 = arith.extui %and3A_84 : i1 to i32
      %cond3A_86 = arith.constant 0 : i32
      %cond3A_87 = arith.cmpi ne, %convert_element_type3A_85, %cond3A_86 : i32
      scf.if %cond3A_87 {
        %add3A_92 = arith.constant 1 : i32
        %add3A_93 = arith.addi %add3A_35, %add3A_92 : i32
        %add3A_94 = arith.addi %mul3A_0, %add3A_93 : i32
        %dma_start3A = arith.constant 249984 : i32
        %dma_start3A_95 = tpu.memref_slice %arg14[%dma_start3A] : memref<500096xf32, #tpu.memory_space<vmem_shared>> -> memref<249984xf32, #tpu.memory_space<vmem_shared>>
        %dma_start3A_96 = arith.constant 0 : i32
        %dma_start3A_97 = tpu.memref_slice %arg2[%add3A_94, %dma_start3A_96] : memref<64x1000000xf32, #tpu.memory_space<hbm>> -> memref<1x1000000xf32, #tpu.memory_space<hbm>>
        %dma_start3A_98 = tpu.memref_squeeze %dma_start3A_97 : memref<1x1000000xf32, #tpu.memory_space<hbm>> -> memref<1000000xf32, #tpu.memory_space<hbm>>
        %dma_start3A_99 = arith.constant 749952 : i32
        %dma_start3A_100 = tpu.memref_slice %dma_start3A_98[%dma_start3A_99] : memref<1000000xf32, #tpu.memory_space<hbm>> -> memref<249984xf32, #tpu.memory_space<hbm>>
        tpu.enqueue_dma source(%dma_start3A_100 : memref<249984xf32, #tpu.memory_space<hbm>>) target(%dma_start3A_95 : memref<249984xf32, #tpu.memory_space<vmem_shared>>) target_semaphore(%arg30 : memref<!tpu.dma_semaphore, #tpu.memory_space<semaphore_mem>>)
      } else {
      }
      %scan3A_88 = arith.constant 0 : i32
      %scan3A_89 = arith.constant 0 : i32
      %scan3A_90 = arith.addi %scan3A_88, %scan3A_89 : i32
      %scan3A_91 = arith.constant 0 : i32
    }
    %scan3A_29 = arith.constant 32 : i32
    %mul3A_30 = arith.constant 1024 : i32
    %mul3A_31 = arith.muli %arg1, %mul3A_30 : i32
    "tpu.region"() ({
      %run_scoped3A = tpu.sem_alloc : memref<!tpu.dma_semaphore, #tpu.memory_space<semaphore_mem>>
      %dma_start3A = tpu.memref_slice %arg12[%arg0, %mul3A_31] : memref<2x16384xf32, #tpu.memory_space<hbm>> -> memref<1x1024xf32, #tpu.memory_space<hbm>>
      %dma_start3A_32 = tpu.memref_squeeze %dma_start3A : memref<1x1024xf32, #tpu.memory_space<hbm>> -> memref<1024xf32, #tpu.memory_space<hbm>>
      %dma_start3A_33 = tpu.memref_slice %arg12[%arg0, %mul3A_31] : memref<2x16384xf32, #tpu.memory_space<hbm>> -> memref<1x1024xf32, #tpu.memory_space<hbm>>
      %dma_start3A_34 = tpu.memref_squeeze %dma_start3A_33 : memref<1x1024xf32, #tpu.memory_space<hbm>> -> memref<1024xf32, #tpu.memory_space<hbm>>
      tpu.enqueue_dma source(%arg28 : memref<1024xf32, #tpu.memory_space<vmem>>) target(%dma_start3A_34 : memref<1024xf32, #tpu.memory_space<hbm>>) target_semaphore(%run_scoped3A : memref<!tpu.dma_semaphore, #tpu.memory_space<semaphore_mem>>)
      %dma_wait3A = tpu.memref_slice %arg12[%arg0, %mul3A_31] : memref<2x16384xf32, #tpu.memory_space<hbm>> -> memref<1x1024xf32, #tpu.memory_space<hbm>>
      %dma_wait3A_35 = tpu.memref_squeeze %dma_wait3A : memref<1x1024xf32, #tpu.memory_space<hbm>> -> memref<1024xf32, #tpu.memory_space<hbm>>
      %dma_wait3A_36 = tpu.memref_slice %arg12[%arg0, %mul3A_31] : memref<2x16384xf32, #tpu.memory_space<hbm>> -> memref<1x1024xf32, #tpu.memory_space<hbm>>
      %dma_wait3A_37 = tpu.memref_squeeze %dma_wait3A_36 : memref<1x1024xf32, #tpu.memory_space<hbm>> -> memref<1024xf32, #tpu.memory_space<hbm>>
      tpu.wait_dma2 semaphore(%run_scoped3A : memref<!tpu.dma_semaphore, #tpu.memory_space<semaphore_mem>>) src(%arg28 : memref<1024xf32, #tpu.memory_space<vmem>>) dst(%dma_wait3A_37 : memref<1024xf32, #tpu.memory_space<hbm>>)
      tpu.yield
    }) : () -> ()
    return
  }
}

</mosaic_0001>

<sc_bundles>
// kernel: _sc_partial.3.cloned.1.call-start
scs
__scs_entry_jumppad:
0x0: {  	(pc) =	sbr.rel $0x88, $3  }
0x1: {  	(tag) =	ssettag $0x0;
	lr =	simm.s32 $0x1  }
0x2: {  	[smem:$0x3F97] =	sst lr;
	_ =	strace $0xD0000000  }
0x3: {  	_ = 	snop  }
0x4: {  	_ = 	snop  }
0x5: {  	_ = 	snop  }
0x6: {  	_ = 	snop  }
0x7: {  	_ = 	snop  }
__scs_overlays_trampoline_lowered:
0x8: {  	[smem:$0x3FA6] =	sst s0  }
0x9: {  	[smem:$0x3FA7] =	sst s1  }
0xa: {  	[smem:$0x3FA8] =	sst s2  }
0xb: {  	[smem:$0x3FA9] =	sst s3  }
0xc: {  	[smem:$0x3FAA] =	sst s4  }
0xd: {  	[smem:$0x3FAB] =	sst s5  }
0xe: {  	[smem:$0x3FAC] =	sst s6  }
0xf: {  	[smem:$0x3FAD] =	sst s7  }
0x10: {  	[smem:$0x3FAE] =	sst s8  }
0x11: {  	[smem:$0x3FAF] =	sst s9;
	s0 =	simm.s32 @!p0 $0x0  }
0x12: {  	s1 =	sld [smem:$0x3F95];
	s0 =	simm.s32 @p0 $0x1  }
0x13: {  	[smem:$0x3FB0] =	sst s0;
	s0 =	simm.s32 @!p1 $0x0  }
0x14: {  	s2 =	sld [smem:$0x3F94];
	s0 =	simm.s32 @p1 $0x1  }
0x15: {  	[smem:$0x3FB1] =	sst s0;
	s0 =	simm.s32 @!p2 $0x0  }
0x16: {  	s3 =	sld [smem:$0x3FDB];
	s0 =	simm.s32 @p2 $0x1  }
0x17: {  	s4 =	simm.s32 $0x1BF5;
	[smem:$0x3FB3] =	sst s0  }
0x18: {  	s0 =	sld [smem:$0x3F96];
	_ =	swait.ge [sflag:s4], $0x0  }
0x19: {  	s7 =	sld [smem:$0x3F97]  }
0x1a: {  	s8 =	sadd.s32 $0xFFFFE003, lr  }
0x1b: {  	s9 =	sadd.s32 $0xFFFFFEF7, lr;
	s5 =	simm.s32 $0xFFFFFFFF;
	p2 =	slt.u32 s8, $0xFFFFF086  }
0x1c: {  	p1 =	slt.u32 s9, $0xF7A;
	s5 =	simm.s32 @!p2 $0x0  }
0x1d: {  	s5 =	simm.s32 @p1 $0x1;
	p0 =	seq.s32 s7, s2  }
0x1e: {  	s7 =	smul.u32 @!p0 $0xF7A, s2;
	p2 =	seq.s32 @!p0 s5, $0x0  }
0x1f: {  	s9 =	smul.u32 $0xF7A, s1;
	s8 =	simm.s32 @!p0 $0x1BF5;
	p2 =	por !p2, p0  }
0x20: {  	[sflag:s8] =	ssyncset.s32 @!p0 $0xFFFFF086;
	s6 =	sadd.s32 @!p0 s3, s7;
	s7 =	simm.s32 @!p0 $0x108  }
0x21: {  	s3 =	sadd.s32 s3, s9;
	s6 =	sadd.s32 @!p0 $0x88, s6;
	s7 =	simm.s32 @p2 $0x1082  }
0x22: {  	[simem:s7], [sflag:s8] =	dma.local @!p0 [hbm:s6], $0xF7A  }
0x23: {  	s9 =	sor.u32 $0xD0000000, s2;
	s6 =	simm.s32 $0x108;
	_ =	swait.ge @!p0 [sflag:s8], $0x0  }
0x24: {  	s3 =	sadd.s32 $0x88, s3;
	s6 =	simm.s32 @!p1 $0x1082;
	[sflag:s4] =	ssyncset.s32 $0xFFFFF086  }
0x25: {  	[simem:s6], [sflag:s4] =	dma.local [hbm:s3], $0xF7A  }
0x26: {  	[smem:$0x3F97] =	sst s1;
	(tag) =	ssettag s2;
	_ =	strace s9  }
0x27: {  	s1 =	sld [smem:$0x3FA7]  }
0x28: {  	s2 =	sld [smem:$0x3FA8]  }
0x29: {  	s4 =	sld [smem:$0x3FAA]  }
0x2a: {  	p0 =	seq.s32 s5, $0x0;
	s5 =	sld [smem:$0x3FAB]  }
0x2b: {  	s6 =	sld [smem:$0x3FAC]  }
0x2c: {  	s7 =	sld [smem:$0x3FAD]  }
0x2d: {  	s3 =	simm.s32 $0x108;
	s8 =	sld [smem:$0x3FAE]  }
0x2e: {  	s3 =	simm.s32 @!p0 $0x1082;
	s9 =	sld [smem:$0x3FAF]  }
0x2f: {  	lr =	sadd.s32 s0, s3;
	s0 =	sld [smem:$0x3FA6]  }
0x30: {  	s3 =	sld [smem:$0x3FA9]  }
0x31: {  	[smem:$0x3FB2] =	sst s10  }
0x32: {  	s10 =	sld [smem:$0x3FB0];
	_ =	sdelay $0x3  }
0x33: {  	p0 =	seq.s32 s10, $0x1;
	s10 =	sld [smem:$0x3FB2];
	_ =	sdelay $0x3  }
0x34: {  	[smem:$0x3FB2] =	sst s10  }
0x35: {  	s10 =	sld [smem:$0x3FB1];
	_ =	sdelay $0x3  }
0x36: {  	p1 =	seq.s32 s10, $0x1;
	s10 =	sld [smem:$0x3FB2];
	_ =	sdelay $0x3  }
0x37: {  	[smem:$0x3FB2] =	sst s10  }
0x38: {  	s10 =	sld [smem:$0x3FB3]  }
0x39: {  	_ = 	snop;
	(pc) =	sbr.ind lr, $3  }
0x3a: {  	_ = 	snop  }
0x3b: {  	_ = 	snop  }
0x3c: {  	p2 =	seq.s32 s10, $0x1;
	s10 =	sld [smem:$0x3FB2]  }
0x3d: {  	_ =	shalt  }
0x3e: {  	_ =	shalt  }
0x3f: {  	_ =	shalt  }
0x40: {  	_ =	shalt  }
0x41: {  	_ =	shalt  }
0x42: {  	_ =	shalt  }
0x43: {  	_ =	shalt  }
0x44: {  	_ =	shalt  }
0x45: {  	_ =	shalt  }
0x46: {  	_ =	shalt  }
0x47: {  	_ =	shalt  }
0x48: {  	_ =	shalt  }
0x49: {  	_ =	shalt  }
0x4a: {  	_ =	shalt  }
0x4b: {  	_ =	shalt  }
0x4c: {  	_ =	shalt  }
0x4d: {  	_ =	shalt  }
0x4e: {  	_ =	shalt  }
0x4f: {  	_ =	shalt  }
0x50: {  	_ =	shalt  }
0x51: {  	_ =	shalt  }
0x52: {  	_ =	shalt  }
0x53: {  	_ =	shalt  }
0x54: {  	_ =	shalt  }
0x55: {  	_ =	shalt  }
0x56: {  	_ =	shalt  }
0x57: {  	_ =	shalt  }
0x58: {  	_ =	shalt  }
0x59: {  	_ =	shalt  }
0x5a: {  	_ =	shalt  }
0x5b: {  	_ =	shalt  }
0x5c: {  	_ =	shalt  }
0x5d: {  	_ =	shalt  }
0x5e: {  	_ =	shalt  }
0x5f: {  	_ =	shalt  }
0x60: {  	_ =	shalt  }
0x61: {  	_ =	shalt  }
0x62: {  	_ =	shalt  }
0x63: {  	_ =	shalt  }
0x64: {  	_ =	shalt  }
0x65: {  	_ =	shalt  }
0x66: {  	_ =	shalt  }
0x67: {  	_ =	shalt  }
0x68: {  	_ =	shalt  }
0x69: {  	_ =	shalt  }
0x6a: {  	_ =	shalt  }
0x6b: {  	_ =	shalt  }
0x6c: {  	_ =	shalt  }
0x6d: {  	_ =	shalt  }
0x6e: {  	_ =	shalt  }
0x6f: {  	_ =	shalt  }
0x70: {  	_ =	shalt  }
0x71: {  	_ =	shalt  }
0x72: {  	_ =	shalt  }
0x73: {  	_ =	shalt  }
0x74: {  	_ =	shalt  }
0x75: {  	_ =	shalt  }
0x76: {  	_ =	shalt  }
0x77: {  	_ =	shalt  }
0x78: {  	_ =	shalt  }
0x79: {  	_ =	shalt  }
0x7a: {  	_ =	shalt  }
0x7b: {  	_ =	shalt  }
0x7c: {  	_ =	shalt  }
0x7d: {  	_ =	shalt  }
0x7e: {  	_ =	shalt  }
0x7f: {  	_ =	shalt  }
0x80: {  	_ =	shalt  }
0x81: {  	_ =	shalt  }
0x82: {  	_ =	shalt  }
0x83: {  	_ =	shalt  }
0x84: {  	_ =	shalt  }
0x85: {  	_ =	shalt  }
0x86: {  	_ =	shalt  }
0x87: {  	_ =	shalt  }
.Lfunc_end0:
.L_simem_size_0:
called_computation_lowered:
.L_overlay_start_0:
0x88: {  	s2 =	sld [smem:$0x3FD9]  }
0x89: {  	s3 =	sld [smem:$0x3FFE];
	_ =	sdelay $0x1  }
0x8a: {  	s1 =	srdreg.scid  }
0x8b: {  	s0 =	sand.u32 $0x1, s1  }
0x8c: {  	s18 =	sshll.u32 s0, $0xA;
	s2 =	sadd.s32 s3, s2  }
0x8d: {  	s2 =	sadd.s32 s2, s18  }
0x8e: {  	[smem:$0x3FBE] =	sst s2  }
0x8f: {  	_ = 	snop  }
0x90: {  	s2 =	sld [smem:$0x3FC9]  }
0x91: {  	s19 =	sld [smem:$0x3FC8]  }
0x92: {  	s4 =	sld [smem:$0x3FC7]  }
0x93: {  	s5 =	sld [smem:$0x3FC6]  }
0x94: {  	s6 =	sld [smem:$0x3FC5]  }
0x95: {  	s7 =	sld [smem:$0x3FC4]  }
0x96: {  	s8 =	sld [smem:$0x3FC3]  }
0x97: {  	s9 =	sld [smem:$0x3FC2]  }
0x98: {  	s10 =	sld [smem:$0x3FC1]  }
0x99: {  	s11 =	sld [smem:$0x3FC0]  }
0x9a: {  	s12 =	sld [smem:$0x3FD0];
	(tm) =	ssettm $0x1  }
0x9b: {  	s13 =	sld [smem:$0x3FFB];
	_ =	sdelay $0x3  }
0x9c: {  	_ =	strace s13  }
0x9d: {  	s13 =	sld [smem:$0x3FFC];
	_ =	sdelay $0x3  }
0x9e: {  	_ =	strace s13  }
0x9f: {  	s13 =	sld [smem:$0x3FFD];
	_ =	sdelay $0x3  }
0xa0: {  	_ =	strace s13  }
0xa1: {  	_ =	strace $0x8FFFFFFF  }
0xa2: {  	s20 =	sld [smem:$0x3FDB];
	_ =	sdelay $0x1  }
0xa3: {  	s14 =	simm.s32 $_scs_section_size  }
0xa4: {  	s15 =	simm.s32 $_size__tile_overlayer_lowered;
	s16 =	simm.s32 $_tile_overlayer_lowered  }
0xa5: {  	s23 =	simm.s32 $0x1BFF;
	s22 =	sshll.u32 s16, $0x1;
	s13 =	sadd.s32 s14, s20  }
0xa6: {  	s17 =	simm.s32 $0x0;
	s21 =	sshll.u32 s15, $0x1;
	s15 =	sadd.s32 s22, s13  }
0xa7: {  	[timem:s17], [sflag:s23] =	dma.local [hbm:s15], s21  }
0xa8: {  	_ =	swait.ge [sflag:s23], s21  }
0xa9: {  	s14 =	ssub.s32 $0x0, s21;
	[sflag:s23] =	ssyncset.done $0x0  }
0xaa: {  	[sflag:s23] =	ssyncadd.s32 s14;
	_ =	sdelay $0x1  }
0xab: {  	s24 =	simm.s32 $0x1B8B  }
0xac: {  	_ =	swait.ge [sflag:s24], $0x1  }
0xad: {  	[sflag:s24] =	ssyncset.done $0x0  }
0xae: {  	s25 =	simm.s32 $0x1B8E;
	[sflag:s24] =	ssyncadd.s32 $0xFFFFFFFF  }
0xaf: {  	s26 =	simm.s32 $execute0_lowered;
	[smem:$0x3FD2] =	sst s25  }
0xb0: {  	s14 =	sshll.u32 s26, $0x1;
	_ =	strace $0x80000046;
	[dreg:$0x1] =	wrdreg $0xFFFFFFFF  }
0xb1: {  	s28 =	simm.s32 $_size_execute0_lowered;
	s13 =	sadd.s32 s13, s14;
	[dreg:$0x0] =	wrdreg $0x0  }
0xb2: {  	s14 =	sshll.u32 s28, $0x1;
	[dreg:$0x2] =	wrdreg s13  }
0xb3: {  	[dreg:$0x3] =	wrdreg s14  }
0xb4: {  	[dreg:$0x4] =	wrdreg $0xC0  }
0xb5: {  	_ =	task [dreg:s17], $0x5FFFF  }
0xb6: {  	[dreg:$0x1] =	wrdreg $0xFFFFFFFF  }
0xb7: {  	[dreg:$0x0] =	wrdreg $0x60  }
0xb8: {  	[dreg:$0x2] =	wrdreg s2  }
0xb9: {  	[dreg:$0x3] =	wrdreg s19  }
0xba: {  	[dreg:$0x4] =	wrdreg s4  }
0xbb: {  	[dreg:$0x5] =	wrdreg s5  }
0xbc: {  	[dreg:$0x6] =	wrdreg s6  }
0xbd: {  	[dreg:$0x7] =	wrdreg s7  }
0xbe: {  	[dreg:$0x8] =	wrdreg s8  }
0xbf: {  	[dreg:$0x9] =	wrdreg s9  }
0xc0: {  	[dreg:$0xa] =	wrdreg s10  }
0xc1: {  	[dreg:$0xb] =	wrdreg s11  }
0xc2: {  	[dreg:$0xc] =	wrdreg s12  }
0xc3: {  	[dreg:$0xd] =	wrdreg $0x0  }
0xc4: {  	[dreg:$0xe] =	wrdreg $0x7A180  }
0xc5: {  	[dreg:$0xf] =	wrdreg $0x9  }
0xc6: {  	_ =	task.clear_ibuf [dreg:s17], $0x10FFFF;
	_ =	strace $0x90000046  }
0xc7: {  	s29 =	simm.s32 $0x9;
	_ =	strace $0x80000048  }
0xc8: {  	_ =	swait.ge [sflag:s29], $0x1  }
0xc9: {  	[sflag:s29] =	ssyncadd.s32 $0xFFFFFFFF  }
0xca: {  	_ =	strace $0x90000048  }
0xcb: {  	_ =	sfence  }
0xcc: {  	s30 =	sld [smem:$0x0];
	_ =	sdelay $0x2  }
0xcd: {  	s31 =	sshll.u32 s1, $0xD;
	s1 =	sshrl.u32 s1, $0x2  }
0xce: {  	s3 =	sand.u32 $0x4000, s31;
	s1 =	sadd.s32 s1, s30  }
0xcf: {  	s0 =	sor.u32 s3, s0;
	s1 =	sshll.u32 s1, $0x11  }
0xd0: {  	s0 =	sor.u32 s1, s0  }
0xd1: {  	s0 =	sadd.s32 $0x8F2B, s0  }
0xd2: {  	[sflag:s0] =	ssyncadd.remote.s32 $0x1  }
0xd3: {  	_ =	sfence.sel $0xFFFF  }
0xd4: {  	[dreg:$0x0] =	wrdreg $0xFFFFFFFF;
	(pc) =	sbr.abs _section_cstart, $3  }
0xd5: {  	[dreg:$0x1] =	wrdreg $0xFFFFFFFF  }
0xd6: {  	_ =	task.clear_ibuf [dreg:s17], $0x2FFFF;
	_ =	strace $0x9FFFFFFF  }
0xd7: {  	(tm) =	ssettm $0x7FFFFFFF  }
tec
execute0_lowered:
.L_overlay_start_1:
0x0: {  	(tag) =	ssettag $0x1  }
0x1: {  	s18 =	rddreg [dreg:$0x0]  }
0x2: {  	s1 =	rddreg [dreg:$0x1]  }
0x3: {  	s6 =	rddreg [dreg:$0x2]  }
0x4: {  	s7 =	rddreg [dreg:$0x3]  }
0x5: {  	s8 =	rddreg [dreg:$0x4]  }
0x6: {  	s9 =	rddreg [dreg:$0x5]  }
0x7: {  	s10 =	rddreg [dreg:$0x6]  }
0x8: {  	s11 =	rddreg [dreg:$0x7]  }
0x9: {  	s12 =	rddreg [dreg:$0x8]  }
0xa: {  	s13 =	rddreg [dreg:$0x9]  }
0xb: {  	s14 =	rddreg [dreg:$0xa]  }
0xc: {  	s24 =	rddreg [dreg:$0xb]  }
0xd: {  	s31 =	rddreg [dreg:$0xc];
	s5 =	srdreg.scid;
	s0 =	simm.s32 $0x0  }
0xe: {  	s17 =	sand.u32 $0x1, s5;
	[smem:$0x7FF] =	sst s0  }
0xf: {  	s5 =	stileid.u32;
	s21 =	sadd.s32 $0x7A100, s31;
	s23 =	sadd.s32 $0x7A100, s24  }
0x10: {  	s15 =	ssub.s32 $0x2, s17;
	_ =	strace $0x80000047;
	[dreg:$0x1a] =	wrdreg s21  }
0x11: {  	s22 =	sshll.u32 s17, $0x5;
	s30 =	sshll.u32 s5, $0x7;
	[dreg:$0x1b] =	wrdreg s23  }
0x12: {  	s25 =	sshll.u32 s17, $0x4;
	s26 =	sshll.u32 s5, $0x8;
	p4 =	sgt.s32 s5, $0x1  }
0x13: {  	s16 =	sshrl.u32 s15, $0x1;
	s2 =	sadd.s32 s7, s30;
	s3 =	sadd.s32 s8, s30  }
0x14: {  	s4 =	sadd.s32 s9, s30;
	s7 =	sadd.s32 s10, s30;
	[dreg:$0x10] =	wrdreg s2  }
0x15: {  	s8 =	sadd.s32 s11, s30;
	s9 =	sadd.s32 s12, s30;
	[dreg:$0x11] =	wrdreg s3  }
0x16: {  	s10 =	sshll.u32 s17, $0xC;
	s11 =	sshll.u32 s17, $0x9;
	[dreg:$0x12] =	wrdreg s4  }
0x17: {  	s12 =	smul.u32 $0x3D0A00, s17;
	s13 =	sadd.s32 s13, s30;
	[dreg:$0x13] =	wrdreg s7  }
0x18: {  	p0 =	seq.s32 @p4 s5, $0x2;
	s30 =	sor.u32 $0x1, s22;
	[dreg:$0x14] =	wrdreg s8  }
0x19: {  	p2 =	seq.s32 @!p4 s5, $0x0;
	[dreg:$0x15] =	wrdreg s9;
	p1 =	por p0, !p4  }
0x1a: {  	s19 =	ssub.s32 s15, s16;
	[dreg:$0x16] =	wrdreg s13;
	p1 =	seq.s32 @!p1 s5, $0x3  }
0x1b: {  	s15 =	sadd.s32 s1, s10;
	p1 =	por @p4 !p1, p0;
	p0 =	por !p0, !p4  }
0x1c: {  	s16 =	sadd.s32 s6, s11;
	s1 =	sadd.s32 s14, s25;
	s0 =	simm.s32 @!p0 $0x0  }
0x1d: {  	[dreg:$0x1e] =	wrdreg s30;
	s0 =	simm.s32 @p0 $0x1;
	p0 =	por p1, !p4  }
0x1e: {  	s3 =	simm.s32 $0x3;
	[smem:$0x7F7] =	sst s0;
	s0 =	simm.s32 @!p0 $0x0  }
0x1f: {  	[dreg:$0x17] =	wrdreg s15;
	p1 =	por !p1, !p4;
	s0 =	simm.s32 @p0 $0x1  }
0x20: {  	p3 =	por p2, p4;
	[smem:$0x7F8] =	sst s0;
	s0 =	simm.s32 @!p1 $0x0  }
0x21: {  	p0 =	seq.s32 @!p3 s5, $0x1;
	s0 =	simm.s32 @p1 $0x1;
	p1 =	por !p2, p4  }
0x22: {  	p0 =	por @!p4 !p0, p2;
	[smem:$0x7F9] =	sst s0;
	s0 =	simm.s32 @!p1 $0x0  }
0x23: {  	[dreg:$0x18] =	wrdreg s16;
	s0 =	simm.s32 @p1 $0x1;
	p1 =	por p0, p4  }
0x24: {  	s20 =	sadd.s32 s18, s12;
	[smem:$0x7FA] =	sst s0;
	s0 =	simm.s32 @!p1 $0x0  }
0x25: {  	s16 =	sadd.s32 $0x3D080, s31;
	[dreg:$0x19] =	wrdreg s20;
	s0 =	simm.s32 @p1 $0x1  }
0x26: {  	s28 =	sadd.s32 s26, s1;
	[smem:$0x7FB] =	sst s0;
	s0 =	simm.s32 @!p4 $0x0  }
0x27: {  	[dreg:$0x1c] =	wrdreg s28;
	p0 =	por !p0, p4;
	s0 =	simm.s32 @p4 $0x1  }
0x28: {  	s29 =	smax.u32 s19, $0x1;
	[smem:$0x7FC] =	sst s0;
	s0 =	simm.s32 @!p0 $0x0  }
0x29: {  	s15 =	sadd.s32 $0x3D080, s24;
	[dreg:$0x1d] =	wrdreg s29;
	s0 =	simm.s32 @p0 $0x1  }
0x2a: {  	v0 =	vimm.f32 $0.0e+00;
	s1 =	simm.s32 $0x0;
	p3 =	sne.s32 s5, $0x0;
	[smem:$0x7FD] =	sst s0  }
.LBB2_1:
0x2b: {  	[dreg:$0x1f] =	wrdreg s1  }
0x2c: {  	s0 =	simm.s32 $0x0;
	s9 =	rddreg [dreg:$0x10];
	s2 =	simm.s32 $0x18430  }
0x2d: {  	[tilespmem:s2], [sflag:$0x3] =	stream.linear.gather [hbm4b:s9+s0], $0x400, $0x38;
	[tilespmem:$0x1A430] =	vst v63  }
0x2e: {  	_ =	swait.ge [sflag:s3], $0x400  }
0x2f: {  	[sflag:s3] =	ssyncset.done $0x0  }
0x30: {  	s11 =	simm.s32 $0x18830;
	s10 =	rddreg [dreg:$0x11];
	[sflag:s3] =	ssyncadd.s32 $0xFFFFFC00  }
0x31: {  	[tilespmem:s11], [sflag:$0x3] =	stream.linear.gather [hbm4b:s10+s0], $0x400, $0x38;
	[tilespmem:$0x1A430] =	vst v63  }
0x32: {  	_ =	swait.ge [sflag:s3], $0x400  }
0x33: {  	[sflag:s3] =	ssyncset.done $0x0  }
0x34: {  	s13 =	simm.s32 $0x18C30;
	s12 =	rddreg [dreg:$0x12];
	[sflag:s3] =	ssyncadd.s32 $0xFFFFFC00  }
0x35: {  	[tilespmem:s13], [sflag:$0x3] =	stream.linear.gather [hbm4b:s12+s0], $0x400, $0x38;
	[tilespmem:$0x1A430] =	vst v63  }
0x36: {  	_ =	swait.ge [sflag:s3], $0x400  }
0x37: {  	[sflag:s3] =	ssyncset.done $0x0  }
0x38: {  	s17 =	simm.s32 $0x19030;
	s14 =	rddreg [dreg:$0x13];
	[sflag:s3] =	ssyncadd.s32 $0xFFFFFC00  }
0x39: {  	[tilespmem:s17], [sflag:$0x3] =	stream.linear.gather [hbm4b:s14+s0], $0x400, $0x38;
	[tilespmem:$0x1A430] =	vst v63  }
0x3a: {  	_ =	swait.ge [sflag:s3], $0x400  }
0x3b: {  	[sflag:s3] =	ssyncset.done $0x0  }
0x3c: {  	s20 =	simm.s32 $0x19430;
	s19 =	rddreg [dreg:$0x14];
	[sflag:s3] =	ssyncadd.s32 $0xFFFFFC00  }
0x3d: {  	[tilespmem:s20], [sflag:$0x3] =	stream.linear.gather [hbm4b:s19+s0], $0x400, $0x38;
	[tilespmem:$0x1A430] =	vst v63  }
0x3e: {  	_ =	swait.ge [sflag:s3], $0x400  }
0x3f: {  	[sflag:s3] =	ssyncset.done $0x0  }
0x40: {  	s22 =	simm.s32 $0x19830;
	s21 =	rddreg [dreg:$0x15];
	[sflag:s3] =	ssyncadd.s32 $0xFFFFFC00  }
0x41: {  	[tilespmem:s22], [sflag:$0x3] =	stream.linear.gather [hbm4b:s21+s0], $0x400, $0x38;
	[tilespmem:$0x1A430] =	vst v63  }
0x42: {  	_ =	swait.ge [sflag:s3], $0x400  }
0x43: {  	[sflag:s3] =	ssyncset.done $0x0  }
0x44: {  	s25 =	simm.s32 $0x19C30;
	s23 =	rddreg [dreg:$0x16];
	[sflag:s3] =	ssyncadd.s32 $0xFFFFFC00  }
0x45: {  	[tilespmem:s25], [sflag:$0x3] =	stream.linear.gather [hbm4b:s23+s0], $0x400, $0x38;
	[tilespmem:$0x1A430] =	vst v63  }
0x46: {  	_ =	swait.ge [sflag:s3], $0x400  }
0x47: {  	[sflag:s3] =	ssyncset.done $0x0  }
0x48: {  	s28 =	simm.s32 $0xF430;
	s26 =	rddreg [dreg:$0x17];
	[sflag:s3] =	ssyncadd.s32 $0xFFFFFC00  }
0x49: {  	[tilespmem:s28], [sflag:$0x3] =	stream.linear.gather [hbm4b:s26+s0], $0x8000, $0x38;
	[tilespmem:$0x1A430] =	vst v63  }
0x4a: {  	_ =	swait.ge [sflag:s3], $0x8000  }
0x4b: {  	[sflag:s3] =	ssyncset.done $0x0  }
0x4c: {  	s30 =	simm.s32 $0x17430;
	s29 =	rddreg [dreg:$0x18];
	[sflag:s3] =	ssyncadd.s32 $0xFFFF8000  }
0x4d: {  	[tilespmem:s30], [sflag:$0x3] =	stream.linear.gather [hbm4b:s29+s0], $0x1000, $0x38;
	[tilespmem:$0x1A430] =	vst v63  }
0x4e: {  	_ =	swait.ge [sflag:s3], $0x1000  }
0x4f: {  	[sflag:s3] =	ssyncset.done $0x0  }
0x50: {  	s1 =	simm.s32 $0x40;
	s6 =	simm.s32 $0x0;
	[sflag:s3] =	ssyncadd.s32 $0xFFFFF000  }
.LBB2_2:
0x51: {  	p0 =	sne.s32 s1, $0xFC0;
	[tilespmem:s6+$0x1A030] =	vst v0;
	s6 =	smov.u32 s1;
	s1 =	sadd.s32 $0x40, s1  }
.Ltmp0:
0x52: {  	(pc) =	sbr.rel @p0 .LBB2_2-.Ltmp0, $2  }
0x53: {  	_ =	sdelay $0x2  }
0x54: {  	s6 =	sshra.s32 s6, $0x2  }
0x55: {  	s0 =	sld [smem:$0x7F7];
	_ =	sdelay $0x2  }
0x56: {  	p2 =	seq.s32 s0, $0x1  }
0x57: {  	[tilespmem:s6+$0x1A030] =	vst v0;
	s0 =	rddreg [dreg:$0x1a];
	s1 =	simm.s32 @!p2 $0x1A030  }
0x58: {  	[spmem:s0] =	stream.linear.scatter @!p2 [tilespmem:s1], [sflag:$0x3], $0x80, $0x38;
	[tilespmem:$0x1A430] =	vst v63  }
0x59: {  	s6 =	sshrl.u32 @!p2 s31, $0x3;
	s1 =	simm.s32 @!p2 $0x3  }
0x5a: {  	s7 =	simm.s32 @!p2 $0x1;
	s8 =	simm.s32 @!p2 $0x10;
	_ =	swait.ge @!p2 [sflag:s1], $0x80  }
0x5b: {  	s9 =	simm.s32 @!p2 $0x80;
	[sflag:s1] =	ssyncset.done @!p2 $0x0;
	s0 =	rddreg [dreg:$0x19]  }
0x5c: {  	s10 =	simm.s32 @!p2 $0x1C82;
	[sflag:s1] =	ssyncadd.s32 @!p2 $0xFFFFFF80;
	s1 =	sadd.s32 @!p2 $0x7A100, s0  }
0x5d: {  	[spmem:s6@s8], [sflag:s10] =	dma.strided @!p2 [hbm:s1@s9], $0x7A10, s7, $0x10   }
0x5e: {  	s1 =	sld [smem:$0x7F8];
	_ =	sdelay $0x2  }
0x5f: {  	p1 =	seq.s32 s1, $0x1  }
0x60: {  	s1 =	sadd.s32 @!p1 $0xB7180, s0;
	s6 =	sshrl.u32 @!p1 s16, $0x3;
	s7 =	simm.s32 @!p1 $0x1  }
0x61: {  	s8 =	simm.s32 @!p1 $0x10;
	s9 =	simm.s32 @!p1 $0x80;
	s10 =	simm.s32 @!p1 $0x1CC2  }
0x62: {  	[spmem:s6@s8], [sflag:s10] =	dma.strided @!p1 [hbm:s1@s9], $0x7A10, s7, $0x10   }
0x63: {  	s1 =	sld [smem:$0x7FA]  }
0x64: {  	s20 =	sld [smem:$0x7F9]  }
0x65: {  	p0 =	por $0x0, $0x0  }
0x66: {  	p6 =	por @!p1 $0x0, $0x0;
	p4 =	por @!p1 $0x1, $0x1;
	p5 =	seq.s32 s1, $0x1  }
0x67: {  	s2 =	rddreg [dreg:$0x1b];
	p1 =	seq.s32 s20, $0x1;
	s1 =	simm.s32 @!p5 $0x1A030  }
0x68: {  	p4 =	por @!p1 p0, p0;
	p6 =	por @!p1 p0, p0;
	p1 =	por @!p2 $0x0, $0x0  }
0x69: {  	[spmem:s2] =	stream.linear.scatter @!p5 [tilespmem:s1], [sflag:$0x3], $0x80, $0x38;
	[tilespmem:$0x1A430] =	vst v63  }
0x6a: {  	s6 =	simm.s32 @!p5 $0x1;
	p4 =	por @!p2 p1, p1  }
0x6b: {  	s7 =	simm.s32 @!p5 $0x10;
	p0 =	por p6, p6;
	s2 =	simm.s32 @!p4 $0x0  }
0x6c: {  	p0 =	por @!p2 p1, p1;
	p1 =	por @!p2 $0x1, $0x1;
	s2 =	simm.s32 @p4 $0x1  }
0x6d: {  	s1 =	simm.s32 @!p5 $0x3;
	p6 =	por @!p2 p1, p1;
	[smem:$0x7F4] =	sst s2  }
0x6e: {  	s8 =	simm.s32 @!p5 $0x80;
	s2 =	simm.s32 @!p6 $0x0;
	_ =	swait.ge @!p5 [sflag:s1], $0x80  }
0x6f: {  	s9 =	simm.s32 @!p5 $0x1C01;
	s2 =	simm.s32 @p6 $0x1;
	[sflag:s1] =	ssyncset.done @!p5 $0x0  }
0x70: {  	[smem:$0x7F5] =	sst s2;
	[sflag:s1] =	ssyncadd.s32 @!p5 $0xFFFFFF80;
	s1 =	sshrl.u32 @!p5 s24, $0x3  }
0x71: {  	[spmem:s1@s7], [sflag:s9] =	dma.strided @!p5 [hbm:s0@s8], $0x7A10, s6, $0x10   }
0x72: {  	s1 =	sld [smem:$0x7FB];
	_ =	sdelay $0x2  }
0x73: {  	p2 =	seq.s32 s1, $0x1  }
0x74: {  	s1 =	sadd.s32 @!p2 $0x3D080, s0;
	s6 =	sshrl.u32 @!p2 s15, $0x3;
	s7 =	simm.s32 @!p2 $0x1  }
0x75: {  	s8 =	simm.s32 @!p2 $0x10;
	s9 =	simm.s32 @!p2 $0x80;
	s10 =	simm.s32 @!p2 $0x1C41  }
0x76: {  	[spmem:s6@s8], [sflag:s10] =	dma.strided @!p2 [hbm:s1@s9], $0x7A10, s7, $0x10   }
0x77: {  	s28 =	simm.s32 @!p3 $0x1;
	s0 =	simm.s32 @!p3 $0x1;
	s21 =	sld [smem:$0x7FD]  }
0x78: {  	s30 =	simm.s32 $0x80;
	s22 =	sld [smem:$0x7FD];
	_ =	swait.ge @!p3 [sflag:s0], $0x7A10  }
0x79: {  	p6 =	por $0x0, $0x0;
	p1 =	por @!p2 $0x1, $0x1;
	s23 =	sld [smem:$0x7FC]  }
0x7a: {  	p2 =	por @!p2 $0x0, $0x0;
	s25 =	sld [smem:$0x7F4];
	[sflag:s0] =	ssyncset.done @!p3 $0x0  }
0x7b: {  	s26 =	sld [smem:$0x7F5];
	[sflag:s0] =	ssyncadd.s32 @!p3 $0xFFFF85F0;
	p4 =	seq.s32 s21, $0x1  }
0x7c: {  	p2 =	por @!p4 p6, p6;
	p6 =	por $0x0, $0x0;
	p4 =	seq.s32 s22, $0x1  }
0x7d: {  	p1 =	por @!p4 p6, p6;
	p6 =	por @!p5 $0x0, $0x0;
	p4 =	seq.s32 s25, $0x1  }
0x7e: {  	p2 =	por @!p5 p6, p6;
	p1 =	por @!p5 p6, p6;
	p5 =	seq.s32 s23, $0x1  }
0x7f: {  	p6 =	seq.s32 s26, $0x1;
	s23 =	simm.s32 $0x100;
	p4 =	por @!p5 p2, p2  }
0x80: {  	p0 =	por @!p5 p1, p1;
	p6 =	por @!p5 p2, p2;
	p1 =	por @!p3 $0x0, $0x0  }
0x81: {  	s1 =	simm.s32 @p0 $0x1;
	p5 =	por !p0, !p0;
	s2 =	simm.s32 @p4 $0x2  }
0x82: {  	s3 =	simm.s32 @!p0 $0x0;
	_ =	swait.ge @p0 [sflag:s1], $0x7A10;
	[dreg:$0xe] =	wrdreg s1  }
0x83: {  	p2 =	por p6, p6;
	s3 =	simm.s32 @p0 $0x1;
	s0 =	rddreg [dreg:$0x1e]  }
0x84: {  	s29 =	simm.s32 @p2 $0x2;
	[sflag:s1] =	ssyncset.done @p0 $0x0;
	[smem:$0x7F1] =	sst s3  }
0x85: {  	s3 =	simm.s32 @!p5 $0x0;
	s26 =	sadd.s32 $0x1, s0;
	[sflag:s1] =	ssyncadd.s32 @p0 $0xFFFF85F0  }
0x86: {  	p0 =	por $0x0, $0x0;
	s1 =	simm.s32 @p6 $0x2;
	s3 =	simm.s32 @p5 $0x1  }
0x87: {  	[bflag:$0x0] =	sbarrier.arrive $0xFFFF;
	p6 =	por p5, p0;
	p5 =	por p1, p3  }
0x88: {  	p1 =	por !p4, !p4;
	[smem:$0x7F2] =	sst s3;
	s6 =	sshll.u32 @!p6 s5, $0x6  }
0x89: {  	s8 =	sshrl.u32 @!p5 s0, $0x3;
	s12 =	sand.u32 @!p5 $0x380, s30;
	_ =	swait.ge @p2 [sflag:s1], $0x7A10  }
0x8a: {  	s9 =	smul.u32 @!p5 $0x7A1400, s8;
	s8 =	sshrl.u32 @!p6 s0, $0x3;
	[sflag:s1] =	ssyncset.done @p2 $0x0  }
0x8b: {  	s7 =	sor.u32 @!p6 $0x1C01, s6;
	s13 =	smul.u32 @!p6 $0x7A1400, s8;
	[sflag:s1] =	ssyncadd.s32 @p2 $0xFFFF85F0  }
0x8c: {  	s1 =	simm.s32 @!p1 $0x0;
	s19 =	sor.u32 @!p5 s12, s9;
	_ =	swait.ge @p4 [sflag:s2], $0x7A10  }
0x8d: {  	s1 =	simm.s32 @p1 $0x1;
	p1 =	por p1, p0;
	[dreg:$0xf] =	wrdreg s2  }
0x8e: {  	[smem:$0x7F3] =	sst s1;
	s21 =	simm.s32 @!p1 $0x80;
	[sflag:s2] =	ssyncset.done @p4 $0x0  }
0x8f: {  	s10 =	sshll.u32 @!p1 s5, $0x6;
	s1 =	simm.s32 @!p4 $0x0;
	s11 =	sand.u32 @!p1 $0x380, s30  }
0x90: {  	s1 =	simm.s32 @p4 $0x1;
	[sflag:s2] =	ssyncadd.s32 @p4 $0xFFFF85F0;
	s8 =	sor.u32 @!p1 $0x1C02, s10  }
0x91: {  	s10 =	sand.u32 @!p6 $0x380, s30;
	[smem:$0x7F4] =	sst s1;
	s1 =	simm.s32 @!p2 $0x0  }
0x92: {  	s10 =	sor.u32 @!p6 s10, s13;
	s13 =	sshrl.u32 @!p1 s0, $0x3;
	[bflag:$0x0] =	sbarrier.arrive $0xFFFF  }
0x93: {  	s1 =	simm.s32 @p2 $0x1;
	p2 =	por !p2, !p2;
	s17 =	sshrl.u32 @!p6 s10, $0x3  }
0x94: {  	s14 =	smul.u32 @!p1 $0x7A1400, s13;
	s13 =	simm.s32 @!p5 $0x80;
	[smem:$0x7F5] =	sst s1  }
0x95: {  	s1 =	simm.s32 @!p2 $0x0;
	p0 =	por p2, p0;
	s9 =	sadd.s32 @!p6 s18, s17  }
0x96: {  	s1 =	simm.s32 @p2 $0x1;
	s10 =	simm.s32 @!p0 $0x80;
	s17 =	sshrl.u32 @!p0 s0, $0x3  }
0x97: {  	s12 =	sadd.s32 @!p6 $0x3D080, s9;
	[smem:$0x7F6] =	sst s1;
	s17 =	smul.u32 @!p0 $0x7A1400, s17  }
.LBB2_4:
0x98: {  	s19 =	sshrl.u32 @!p5 s19, $0x3;
	s20 =	sand.u32 @!p0 $0x380, s30;
	s22 =	sshrl.u32 @!p5 s24, $0x3  }
0x99: {  	s1 =	smov.u32 s24;
	s24 =	sshrl.u32 @!p6 s15, $0x3;
	s2 =	sshll.u32 @!p0 s5, $0x6  }
0x9a: {  	s3 =	simm.s32 @!p0 $0x10;
	s6 =	smov.u32 s15;
	s15 =	sshrl.u32 @!p0 s31, $0x3  }
0x9b: {  	s25 =	simm.s32 @!p0 $0x1;
	s5 =	simm.s32 @!p1 $0x1;
	s0 =	simm.s32 @!p1 $0x10  }
0x9c: {  	s4 =	simm.s32 @!p5 $0x1;
	s11 =	sor.u32 @!p1 s11, s14;
	s14 =	sadd.s32 @!p5 s18, s19  }
0x9d: {  	s17 =	sor.u32 @!p0 s20, s17;
	s2 =	sor.u32 @!p0 $0x1C02, s2;
	s19 =	simm.s32 @!p5 $0x10  }
0x9e: {  	s20 =	simm.s32 @!p5 $0x1C01;
	s11 =	sshrl.u32 @!p1 s11, $0x3;
	s17 =	sshrl.u32 @!p0 s17, $0x3  }
0x9f: {  	[spmem:s22@s19], [sflag:s20] =	dma.strided @!p5 [hbm:s14@s13], $0x7A10, s4, $0x10   }
0xa0: {  	s4 =	simm.s32 @!p6 $0x80;
	s13 =	simm.s32 @!p6 $0x10;
	s14 =	simm.s32 @!p6 $0x1  }
0xa1: {  	[spmem:s24@s13], [sflag:s7] =	dma.strided @!p6 [hbm:s12@s4], $0x7A10, s14, $0x10   }
0xa2: {  	s11 =	sadd.s32 @!p1 s18, s11;
	s17 =	sadd.s32 @!p0 s18, s17;
	s4 =	sshrl.u32 @!p1 s16, $0x3  }
0xa3: {  	s11 =	sadd.s32 @!p1 $0xB7180, s11;
	s17 =	sadd.s32 @!p0 $0x7A100, s17;
	[bflag:$0x0] =	sbarrier.arrive $0xFFFF  }
0xa4: {  	[spmem:s15@s3], [sflag:s2] =	dma.strided @!p0 [hbm:s17@s10], $0x7A10, s25, $0x10   }
0xa5: {  	[spmem:s4@s0], [sflag:s8] =	dma.strided @!p1 [hbm:s11@s21], $0x7A10, s5, $0x10   }
0xa6: {  	_ =	swait.ge @!p3 [sflag:s28], $0x7A10  }
0xa7: {  	s17 =	sld [smem:$0x7F1];
	_ =	sdelay $0x1  }
0xa8: {  	[sflag:s28] =	ssyncset.done @!p3 $0x0  }
0xa9: {  	s0 =	rddreg [dreg:$0xe];
	[sflag:s28] =	ssyncadd.s32 @!p3 $0xFFFF85F0;
	p0 =	seq.s32 s17, $0x1  }
0xaa: {  	_ =	swait.ge @p0 [sflag:s0], $0x7A10  }
0xab: {  	[sflag:s0] =	ssyncset.done @p0 $0x0  }
0xac: {  	[sflag:s0] =	ssyncadd.s32 @p0 $0xFFFF85F0  }
0xad: {  	[bflag:$0x0] =	sbarrier.arrive $0xFFFF  }
0xae: {  	s19 =	sld [smem:$0x7F2]  }
0xaf: {  	s20 =	sld [smem:$0x7F5]  }
0xb0: {  	s30 =	smov.u32 s23  }
0xb1: {  	p1 =	seq.s32 @!p3 s30, $0x1000;
	p0 =	seq.s32 s30, $0x1000;
	p4 =	seq.s32 s19, $0x1  }
0xb2: {  	p6 =	por p4, p0;
	p4 =	por p3, p3;
	p3 =	seq.s32 s20, $0x1  }
0xb3: {  	_ =	swait.ge @p3 [sflag:s29], $0x7A10  }
0xb4: {  	s9 =	smov.u32 s26;
	s23 =	sadd.s32 $0x80, s23;
	s21 =	sld [smem:$0x7F3]  }
0xb5: {  	s26 =	sadd.s32 $0x1, s26;
	p2 =	sne.s32 s23, $0x1080;
	s22 =	sld [smem:$0x7F4]  }
0xb6: {  	s24 =	smov.u32 s1;
	p5 =	por p1, p4;
	[sflag:s29] =	ssyncset.done @p3 $0x0  }
0xb7: {  	[sflag:s29] =	ssyncadd.s32 @p3 $0xFFFF85F0;
	p3 =	por p4, p4;
	p4 =	seq.s32 s21, $0x1  }
0xb8: {  	s1 =	rddreg [dreg:$0xf];
	p1 =	por p4, p0;
	p4 =	seq.s32 s22, $0x1  }
0xb9: {  	s15 =	smov.u32 s6;
	s5 =	stileid.u32;
	_ =	swait.ge @p4 [sflag:s1], $0x7A10  }
0xba: {  	s0 =	sshll.u32 @!p6 s5, $0x6;
	s2 =	sshrl.u32 @!p5 s9, $0x3;
	[sflag:s1] =	ssyncset.done @p4 $0x0  }
0xbb: {  	s7 =	sor.u32 @!p6 $0x1C01, s0;
	s3 =	sand.u32 @!p5 $0x380, s30;
	[sflag:s1] =	ssyncadd.s32 @p4 $0xFFFF85F0  }
0xbc: {  	s0 =	smul.u32 @!p5 $0x7A1400, s2;
	s2 =	sshrl.u32 @!p6 s9, $0x3;
	[bflag:$0x0] =	sbarrier.arrive $0xFFFF  }
0xbd: {  	s13 =	simm.s32 @!p5 $0x80;
	s2 =	smul.u32 @!p6 $0x7A1400, s2;
	s25 =	sld [smem:$0x7F6]  }
0xbe: {  	s19 =	sor.u32 @!p5 s3, s0;
	s21 =	simm.s32 @!p1 $0x80;
	s4 =	sshll.u32 @!p1 s5, $0x6  }
.Ltmp1:
0xbf: {  	s8 =	sor.u32 @!p1 $0x1C02, s4;
	s4 =	sand.u32 @!p6 $0x380, s30;
	(pc) =	sbr.rel @p2 .LBB2_4-.Ltmp1, $4  }
0xc0: {  	s11 =	sand.u32 @!p1 $0x380, s30;
	s2 =	sor.u32 @!p6 s4, s2;
	p4 =	seq.s32 s25, $0x1  }
0xc1: {  	s4 =	sshrl.u32 @!p1 s9, $0x3;
	s2 =	sshrl.u32 @!p6 s2, $0x3;
	p0 =	por p4, p0  }
0xc2: {  	s14 =	smul.u32 @!p1 $0x7A1400, s4;
	s0 =	sadd.s32 @!p6 s18, s2;
	s2 =	sshrl.u32 @!p0 s9, $0x3  }
0xc3: {  	s12 =	sadd.s32 @!p6 $0x3D080, s0;
	s10 =	simm.s32 @!p0 $0x80;
	s17 =	smul.u32 @!p0 $0x7A1400, s2  }
0xc4: {  	s0 =	sshrl.u32 @!p5 s19, $0x3;
	s1 =	simm.s32 @!p5 $0x10;
	s2 =	simm.s32 @!p5 $0x1  }
0xc5: {  	s3 =	sshrl.u32 @!p5 s24, $0x3;
	s4 =	simm.s32 @!p5 $0x1C01;
	s0 =	sadd.s32 @!p5 s18, s0  }
0xc6: {  	[spmem:s3@s1], [sflag:s4] =	dma.strided @!p5 [hbm:s0@s13], $0x7A10, s2, $0x10   }
0xc7: {  	s0 =	simm.s32 @!p6 $0x80  }
0xc8: {  	s1 =	simm.s32 @!p6 $0x10;
	s2 =	simm.s32 @!p6 $0x1;
	s3 =	sshrl.u32 @!p6 s15, $0x3  }
0xc9: {  	[spmem:s3@s1], [sflag:s7] =	dma.strided @!p6 [hbm:s12@s0], $0x7A10, s2, $0x10   }
0xca: {  	s0 =	sand.u32 @!p0 $0x380, s30  }
0xcb: {  	s0 =	sor.u32 @!p0 s0, s17  }
0xcc: {  	s4 =	simm.s32 @!p0 $0x1;
	s1 =	sshll.u32 @!p0 s5, $0x6;
	s0 =	sshrl.u32 @!p0 s0, $0x3  }
0xcd: {  	s2 =	simm.s32 @!p0 $0x10;
	s3 =	sshrl.u32 @!p0 s31, $0x3;
	s0 =	sadd.s32 @!p0 s18, s0  }
0xce: {  	s1 =	sor.u32 @!p0 $0x1C02, s1;
	[bflag:$0x0] =	sbarrier.arrive $0xFFFF;
	s0 =	sadd.s32 @!p0 $0x7A100, s0  }
0xcf: {  	[spmem:s3@s2], [sflag:s1] =	dma.strided @!p0 [hbm:s0@s10], $0x7A10, s4, $0x10   }
0xd0: {  	s0 =	sor.u32 @!p1 s11, s14  }
0xd1: {  	s25 =	simm.s32 $0x80;
	s0 =	sshrl.u32 @!p1 s0, $0x3  }
0xd2: {  	s26 =	simm.s32 $0x100;
	s1 =	simm.s32 @!p1 $0x1;
	s0 =	sadd.s32 @!p1 s18, s0  }
0xd3: {  	s2 =	simm.s32 @!p1 $0x10;
	s3 =	sshrl.u32 @!p1 s16, $0x3;
	s0 =	sadd.s32 @!p1 $0xB7180, s0  }
0xd4: {  	[spmem:s3@s2], [sflag:s8] =	dma.strided @!p1 [hbm:s0@s21], $0x7A10, s1, $0x10   }
0xd5: {  	s28 =	simm.s32 $0x1A030;
	s3 =	simm.s32 $0x3;
	s0 =	rddreg [dreg:$0x1c]  }
0xd6: {  	[hbm4b:s0+s25] =	stream.strided.scatter [tilespmem:s28], [sflag:$0x3], $0x400, s26, s25, $0x38;
	[tilespmem:$0x1A430] =	vst v63  }
0xd7: {  	_ =	swait.ge [sflag:s3], $0x400  }
0xd8: {  	s29 =	rddreg [dreg:$0x1f]  }
0xd9: {  	s30 =	rddreg [dreg:$0x1d];
	s1 =	sadd.s32 $0x1, s29  }
0xda: {  	p0 =	sne.s32 s1, s30  }
.Ltmp2:
0xdb: {  	_ = 	snop;
	(pc) =	sbr.rel @p0 .LBB2_1-.Ltmp2, $3  }
0xdc: {  	_ =	sdelay $0x1  }
0xdd: {  	[sflag:s3] =	ssyncset.done $0x0  }
0xde: {  	[sflag:s3] =	ssyncadd.s32 $0xFFFFFC00  }
0xdf: {  	_ =	sfence.sel $0x180000  }
0xe0: {  	[bflag:$0x0] =	sbarrier.arrive $0xFFFF  }
0xe1: {  	_ =	strace $0x90000047  }
0xe2: {  	[bflag:$0x2] =	sbarrier.arrive $0xFFFF  }
0xe3: {  	s0 =	rddreg [dreg:$0xd]  }
0xe4: {  	s0 =	sadd.s32 @!p3 $0x100000, s0  }
0xe5: {  	[sflag:s0] =	ssyncadd.tile.s32 @!p3 $0x1;
	_ =	shalt  }
.Lfunc_end2:
_tile_overlayer_lowered:
.L_overlay_start_2:
0xe6: {  	(tag) =	ssettag $0x2  }
0xe7: {  	s0 =	rddreg [dreg:$0x0];
	s2 =	stileid.u32  }
0xe8: {  	s1 =	rddreg [dreg:$0x1];
	p0 =	sne.s32 s2, $0x0  }
0xe9: {  	s3 =	rddreg [dreg:$0x2];
	[bflag:$0x3] =	sbarrier.arrive $0xFFFF;
	s2 =	simm.s32 @!p0 $0x1C03  }
0xea: {  	[timem:s3], [sflag:s2] =	dma.local @!p0 [hbm:s0], s1  }
0xeb: {  	s0 =	simm.s32 @!p0 $0x3  }
0xec: {  	_ =	swait.ge @!p0 [sflag:s0], s1  }
0xed: {  	s1 =	ssub.s32 @!p0 $0x0, s1;
	[sflag:s0] =	ssyncset.done @!p0 $0x0  }
0xee: {  	[sflag:s0] =	ssyncadd.s32 @!p0 s1  }
0xef: {  	[bflag:$0x3] =	sbarrier.arrive $0xFFFF  }
0xf0: {  	_ =	shalt  }

</sc_bundles>
